<compile_context>
chip_gen: v7x
topology: tpu7x:2x2x1
jax: 0.10.2.dev20260603
libtpu: 0.0.44.dev20260713+nightly
codegen_flags: <defaults>
</compile_context>

<pallas_src>
import functools

import jax
import jax.numpy as jnp
from jax import lax
from jax.experimental import pallas as pl
from jax.experimental.pallas import tpu as pltpu
from jax.experimental.pallas import tpu_sc as plsc

NC = 2
NS = 16
NW = NC * NS
L = 16

CHUNK = 512
SUB = 64
NBUF = 8
GROUPS = CHUNK // L


def _sc_body(n_nodes, n_chunks, iters_per_tile,
             pos_hbm, src_hbm, dst_hbm, par_hbm, out_hbm,
             src_idx_v, dst_idx_v, src_rows_v, dst_rows_v, par_v, acc_v, sem):
    wid = lax.axis_index("s") * NC + lax.axis_index("c")

    pltpu.sync_copy(par_hbm, par_v)
    s2v = par_v[pl.ds(0, L)]
    tev = par_v[pl.ds(L, L)]

    zero16 = jnp.zeros((L,), jnp.float32)

    def _zero(i, carry):
        acc_v[pl.ds(i * L, L)] = zero16
        return carry
    lax.fori_loop(0, n_nodes // L, _zero, 0)

    iota = lax.iota(jnp.int32, L)
    k0 = jnp.zeros((L,), jnp.int32)
    k1 = jnp.full((L,), 1, jnp.int32)
    k2 = jnp.full((L,), 2, jnp.int32)
    src_rows_2d = src_rows_v
    dst_rows_2d = dst_rows_v

    def _chunk(i, carry):
        cid = wid + i * NW

        @pl.when(cid < n_chunks)
        def _():
            ebase = cid * CHUNK
            pltpu.sync_copy(src_hbm.at[pl.ds(ebase, CHUNK)], src_idx_v)
            pltpu.sync_copy(dst_hbm.at[pl.ds(ebase, CHUNK)], dst_idx_v)
            copies = []
            for j in range(CHUNK // SUB):
                sl = pl.ds(j * SUB, SUB)
                copies.append(pltpu.async_copy(
                    pos_hbm.at[src_idx_v.at[sl]], src_rows_2d.at[sl], sem))
                copies.append(pltpu.async_copy(
                    pos_hbm.at[dst_idx_v.at[sl]], dst_rows_2d.at[sl], sem))
            for cp in copies:
                cp.wait()

            def _group(g, c):
                rows = g * L + iota
                sx = plsc.load_gather(src_rows_v, [rows, k0])
                sy = plsc.load_gather(src_rows_v, [rows, k1])
                sz = plsc.load_gather(src_rows_v, [rows, k2])
                dx = plsc.load_gather(dst_rows_v, [rows, k0])
                dy = plsc.load_gather(dst_rows_v, [rows, k1])
                dz = plsc.load_gather(dst_rows_v, [rows, k2])
                vx = dx - sx
                vy = dy - sy
                vz = dz - sz
                r2 = vx * vx + vy * vy + vz * vz
                t = s2v / r2
                x3 = t * t * t
                e = tev * (x3 * x3 - x3)
                sidx = src_idx_v[pl.ds(g * L, L)]
                plsc.addupdate_scatter(acc_v, [sidx], e)
                return c
            lax.fori_loop(0, GROUPS, _group, 0)
        return carry

    lax.fori_loop(0, iters_per_tile, _chunk, 0)
    pltpu.sync_copy(acc_v, out_hbm.at[wid])


def _tc_reduce_body(p_ref, o_ref):
    o_ref[...] = jnp.sum(p_ref[...], axis=0)


def kernel(pos, edge_index, epsilon, sigma):
    n_nodes = pos.shape[0]
    n_edges = edge_index.shape[1]
    assert n_edges % CHUNK == 0 and n_nodes % L == 0
    n_chunks = n_edges // CHUNK
    iters_per_tile = (n_chunks + NW - 1) // NW

    pos8 = jnp.pad(pos.astype(jnp.float32), ((0, 0), (0, 5)))
    src = edge_index[0]
    dst = edge_index[1]
    eps32 = jnp.asarray(epsilon, jnp.float32)
    sig32 = jnp.asarray(sigma, jnp.float32)
    par = jnp.concatenate([
        jnp.broadcast_to(sig32 * sig32, (L,)),
        jnp.broadcast_to(2.0 * eps32, (L,)),
    ])

    sc_fn = pl.kernel(
        functools.partial(_sc_body, n_nodes, n_chunks, iters_per_tile),
        out_type=jax.ShapeDtypeStruct((NW, n_nodes), jnp.float32),
        mesh=plsc.VectorSubcoreMesh(
            core_axis_name="c", subcore_axis_name="s",
            num_cores=NC, num_subcores=NS),
        scratch_types=[
            pltpu.VMEM((CHUNK,), jnp.int32),
            pltpu.VMEM((CHUNK,), jnp.int32),
            pltpu.VMEM((CHUNK, 8), jnp.float32),
            pltpu.VMEM((CHUNK, 8), jnp.float32),
            pltpu.VMEM((2 * L,), jnp.float32),
            pltpu.VMEM((n_nodes,), jnp.float32),
            pltpu.SemaphoreType.DMA,
        ],
        compiler_params=pltpu.CompilerParams(
            needs_layout_passes=False, use_tc_tiling_on_sc=False),
    )
    partials = sc_fn(pos8, src, dst, par)

    bc = 12288
    out = pl.pallas_call(
        _tc_reduce_body,
        grid=(pl.cdiv(n_nodes, bc),),
        in_specs=[pl.BlockSpec((NW, bc), lambda i: (0, i))],
        out_specs=pl.BlockSpec((bc,), lambda i: (i,)),
        out_shape=jax.ShapeDtypeStruct((n_nodes,), jnp.float32),
    )(partials)
    return out


def _debug_probe(pos, edge_index):
    n_nodes = pos.shape[0]
    pos8 = jnp.pad(pos.astype(jnp.float32), ((0, 0), (0, 5)))
    src = edge_index[0]

    def body(pos_hbm, src_hbm, rows_out, idx_out, sx_out, e_out, acc_out,
             idx_v, rows_v, sx_v, e_v, acc_v, sem):
        wid = lax.axis_index("s") * NC + lax.axis_index("c")

        @pl.when(wid == 0)
        def _():
            zero16 = jnp.zeros((L,), jnp.float32)
            def _zero(i, carry):
                acc_v[pl.ds(i * L, L)] = zero16
                return carry
            lax.fori_loop(0, n_nodes // L, _zero, 0)

            pltpu.sync_copy(src_hbm.at[pl.ds(0, CHUNK)], idx_v)
            copies = []
            for j in range(CHUNK // SUB):
                sl = pl.ds(j * SUB, SUB)
                copies.append(pltpu.async_copy(
                    pos_hbm.at[idx_v.at[sl]], rows_v.at[sl], sem))
            for cp in copies:
                cp.wait()

            iota = lax.iota(jnp.int32, L)
            k0 = jnp.zeros((L,), jnp.int32)
            k1 = jnp.full((L,), 1, jnp.int32)
            k2 = jnp.full((L,), 2, jnp.int32)
            s2 = jnp.full((L,), 0.25, jnp.float32)
            te = jnp.full((L,), 2.0, jnp.float32)

            def _group(g, c):
                rows = g * L + iota
                sx = plsc.load_gather(rows_v, [rows, k0])
                sy = plsc.load_gather(rows_v, [rows, k1])
                sz = plsc.load_gather(rows_v, [rows, k2])
                r2 = sx * sx + sy * sy + sz * sz
                t = s2 / r2
                x3 = t * t * t
                e = te * (x3 * x3 - x3)
                sx_v[pl.ds(g * L, L)] = sx
                e_v[pl.ds(g * L, L)] = e
                sidx = idx_v[pl.ds(g * L, L)]
                plsc.addupdate_scatter(acc_v, [sidx], e)
                return c
            lax.fori_loop(0, GROUPS, _group, 0)

            pltpu.sync_copy(rows_v, rows_out)
            pltpu.sync_copy(idx_v, idx_out)
            pltpu.sync_copy(sx_v, sx_out)
            pltpu.sync_copy(e_v, e_out)
            pltpu.sync_copy(acc_v, acc_out)

    fn = pl.kernel(
        body,
        out_type=(
            jax.ShapeDtypeStruct((CHUNK, 4), jnp.float32),
            jax.ShapeDtypeStruct((CHUNK,), jnp.int32),
            jax.ShapeDtypeStruct((CHUNK,), jnp.float32),
            jax.ShapeDtypeStruct((CHUNK,), jnp.float32),
            jax.ShapeDtypeStruct((n_nodes,), jnp.float32),
        ),
        mesh=plsc.VectorSubcoreMesh(
            core_axis_name="c", subcore_axis_name="s",
            num_cores=NC, num_subcores=NS),
        scratch_types=[
            pltpu.VMEM((CHUNK,), jnp.int32),
            pltpu.VMEM((CHUNK, 4), jnp.float32),
            pltpu.VMEM((CHUNK,), jnp.float32),
            pltpu.VMEM((CHUNK,), jnp.float32),
            pltpu.VMEM((n_nodes,), jnp.float32),
            pltpu.SemaphoreType.DMA,
        ],
        compiler_params=pltpu.CompilerParams(
            needs_layout_passes=False, use_tc_tiling_on_sc=False),
    )
    return fn(pos4, src)

# --- scband reference (transcript-rebuilt; emitter-appended) ---
"""Pipeline reference for scband-lennard-jones-module-77970836291870 (READ-ONLY COPY).

The authoritative reference and input builder live on the scoring server;
editing this copy changes nothing except your own understanding.
"""

import jax, jax.numpy as jnp
import numpy as np

N_NODES = 100000
N_EDGES = 6400000

def setup_inputs(seed: int = 0) -> dict:
    key = jax.random.key(seed)
    k1, k2 = jax.random.split(key)
    pos = jax.random.normal(k1, (N_NODES, 3), dtype=jnp.float32)
    edge_index = jax.random.randint(k2, (2, N_EDGES), 0, N_NODES, dtype=jnp.int32)
    # non-trainable scalar buffers per init_kwargs
    epsilon = jnp.asarray(1.0, dtype=jnp.float32)
    sigma = jnp.asarray(0.5, dtype=jnp.float32)
    return {"pos": pos, "edge_index": edge_index, "epsilon": epsilon, "sigma": sigma}

def reference(pos, edge_index, epsilon, sigma):
    # with_edge_vectors(with_lengths=True): edge_vec = pos[dst] - pos[src]
    src = edge_index[0]
    dst = edge_index[1]
    edge_vec = pos[dst] - pos[src]
    edge_length = jnp.sqrt(jnp.sum(edge_vec * edge_vec, axis=-1))
    lj_eng = (sigma / edge_length) ** 6.0
    lj_eng = jnp.negative(lj_eng)
    lj_eng = lj_eng + jnp.square(lj_eng)
    lj_eng = 2.0 * epsilon * lj_eng
    # scatter-add edge energies onto source atoms (dim_size = n_atoms)
    atomic_eng = jax.ops.segment_sum(lj_eng, src, num_segments=pos.shape[0])
    return atomic_eng

if __name__ == "__main__":
    import jax
    _d = setup_inputs()
    print(jax.jit(kernel)(*tuple(_d.values())))

</pallas_src>

<mosaic_0001>
#map = affine_map<(d0, d1) -> (0, 0)>
#map1 = affine_map<(d0, d1) -> (0)>
module attributes {stable_mosaic.version = 14 : i64} {
  func.func @_sc_body(%arg0: i32, %arg1: i32, %arg2: memref<100000x8xf32, #tpu.memory_space<hbm>>, %arg3: memref<6400000xi32, #tpu.memory_space<hbm>>, %arg4: memref<6400000xi32, #tpu.memory_space<hbm>>, %arg5: memref<32xf32, #tpu.memory_space<hbm>>, %arg6: memref<32x100000xf32, #tpu.memory_space<hbm>>, %arg7: memref<512xi32, #tpu.memory_space<vmem>>, %arg8: memref<512xi32, #tpu.memory_space<vmem>>, %arg9: memref<512x8xf32, #tpu.memory_space<vmem>>, %arg10: memref<512x8xf32, #tpu.memory_space<vmem>>, %arg11: memref<32xf32, #tpu.memory_space<vmem>>, %arg12: memref<100000xf32, #tpu.memory_space<vmem>>, %arg13: memref<!tpu.dma_semaphore, #tpu.memory_space<semaphore_mem>>) attributes {dimension_semantics = [#tpu.dimension_semantics<core_parallel>, #tpu.dimension_semantics<subcore_parallel>], iteration_bounds = array<i64: 2, 16>, scalar_prefetch = 0 : i64, scratch_operands = 7 : i64, tpu.core_type = #tpu.core_type<sc_vector_subcore>, window_params = [{transform_indices = #map}, {transform_indices = #map1}, {transform_indices = #map1}, {transform_indices = #map1}, {transform_indices = #map}]} {
    %mul3A = arith.constant 2 : i32
    %mul3A_0 = arith.muli %arg1, %mul3A : i32
    %add3A = arith.addi %mul3A_0, %arg0 : i32
    "tpu.region"() ({
      %run_scoped3A = tpu.sem_alloc : memref<!tpu.dma_semaphore, #tpu.memory_space<semaphore_mem>>
      tpu.enqueue_dma source(%arg5 : memref<32xf32, #tpu.memory_space<hbm>>) target(%arg11 : memref<32xf32, #tpu.memory_space<vmem>>) target_semaphore(%run_scoped3A : memref<!tpu.dma_semaphore, #tpu.memory_space<semaphore_mem>>)
      tpu.wait_dma2 semaphore(%run_scoped3A : memref<!tpu.dma_semaphore, #tpu.memory_space<semaphore_mem>>) src(%arg5 : memref<32xf32, #tpu.memory_space<hbm>>) dst(%arg11 : memref<32xf32, #tpu.memory_space<vmem>>)
      tpu.yield
    }) : () -> ()
    %get3A = arith.constant 0 : index
    %get3A_1 = tpu.vector_load %arg11[%get3A] {strides = array<i32>} : memref<32xf32, #tpu.memory_space<vmem>>, vector<16xf32>,
    %get3A_2 = arith.constant 16 : index
    %get3A_3 = tpu.vector_load %arg11[%get3A_2] {strides = array<i32>} : memref<32xf32, #tpu.memory_space<vmem>>, vector<16xf32>,
    %broadcast_in_dim3A = arith.constant 0.000000e+00 : f32
    %broadcast_in_dim3A_4 = vector.broadcast %broadcast_in_dim3A : f32 to vector<16xf32>
    %scan3A = arith.constant 0 : i32
    %scan3A_5 = arith.constant 0 : i32
    %scan3A_6 = arith.constant 6250 : i32
    %scan3A_7 = arith.addi %scan3A_5, %scan3A_6 : i32
    %scan3A_8 = arith.constant 1 : i32
    scf.for %scan3A_22 = %scan3A_5 to %scan3A_7 step %scan3A_8  : i32 {
      %mul3A_23 = arith.constant 16 : i32
      %mul3A_24 = arith.muli %scan3A_22, %mul3A_23 : i32
      %swap3A = arith.index_cast %mul3A_24 : i32 to index
      %swap3A_25 = tpu.vector_load %arg12[%swap3A] {strides = array<i32>} : memref<100000xf32, #tpu.memory_space<vmem>>, vector<16xf32>,
      tpu.vector_store %arg12[%swap3A], %broadcast_in_dim3A_4 {strides = array<i32>} : memref<100000xf32, #tpu.memory_space<vmem>>, vector<16xf32>,
    }
    %scan3A_9 = arith.constant 6250 : i32
    %iota3A = tpu.iota {dimensions = array<i32: 0>} : vector<16xi32>
    %broadcast_in_dim3A_10 = arith.constant 0 : i32
    %broadcast_in_dim3A_11 = vector.broadcast %broadcast_in_dim3A_10 : i32 to vector<16xi32>
    %broadcast_in_dim3A_12 = arith.constant 1 : i32
    %broadcast_in_dim3A_13 = vector.broadcast %broadcast_in_dim3A_12 : i32 to vector<16xi32>
    %broadcast_in_dim3A_14 = arith.constant 2 : i32
    %broadcast_in_dim3A_15 = vector.broadcast %broadcast_in_dim3A_14 : i32 to vector<16xi32>
    %scan3A_16 = arith.constant 0 : i32
    %scan3A_17 = arith.constant 0 : i32
    %scan3A_18 = arith.constant 391 : i32
    %scan3A_19 = arith.addi %scan3A_17, %scan3A_18 : i32
    %scan3A_20 = arith.constant 1 : i32
    scf.for %scan3A_22 = %scan3A_17 to %scan3A_19 step %scan3A_20  : i32 {
      %mul3A_23 = arith.constant 32 : i32
      %mul3A_24 = arith.muli %scan3A_22, %mul3A_23 : i32
      %add3A_25 = arith.addi %add3A, %mul3A_24 : i32
      %lt3A = arith.constant 12500 : i32
      %lt3A_26 = arith.cmpi slt, %add3A_25, %lt3A : i32
      %convert_element_type3A = arith.extui %lt3A_26 : i1 to i32
      %cond3A = arith.constant 0 : i32
      %cond3A_27 = arith.cmpi ne, %convert_element_type3A, %cond3A : i32
      scf.if %cond3A_27 {
        %mul3A_28 = arith.constant 512 : i32
        %mul3A_29 = arith.muli %add3A_25, %mul3A_28 : i32
        "tpu.region"() ({
          %run_scoped3A = tpu.sem_alloc : memref<!tpu.dma_semaphore, #tpu.memory_space<semaphore_mem>>
          %dma_start3A_290 = tpu.memref_slice %arg3[%mul3A_29] : memref<6400000xi32, #tpu.memory_space<hbm>> -> memref<512xi32, #tpu.memory_space<hbm>>
          %dma_start3A_291 = tpu.memref_slice %arg3[%mul3A_29] : memref<6400000xi32, #tpu.memory_space<hbm>> -> memref<512xi32, #tpu.memory_space<hbm>>
          tpu.enqueue_dma source(%dma_start3A_291 : memref<512xi32, #tpu.memory_space<hbm>>) target(%arg7 : memref<512xi32, #tpu.memory_space<vmem>>) target_semaphore(%run_scoped3A : memref<!tpu.dma_semaphore, #tpu.memory_space<semaphore_mem>>)
          %dma_wait3A_292 = tpu.memref_slice %arg3[%mul3A_29] : memref<6400000xi32, #tpu.memory_space<hbm>> -> memref<512xi32, #tpu.memory_space<hbm>>
          %dma_wait3A_293 = tpu.memref_slice %arg3[%mul3A_29] : memref<6400000xi32, #tpu.memory_space<hbm>> -> memref<512xi32, #tpu.memory_space<hbm>>
          tpu.wait_dma2 semaphore(%run_scoped3A : memref<!tpu.dma_semaphore, #tpu.memory_space<semaphore_mem>>) src(%dma_wait3A_293 : memref<512xi32, #tpu.memory_space<hbm>>) dst(%arg7 : memref<512xi32, #tpu.memory_space<vmem>>)
          tpu.yield
        }) : () -> ()
        "tpu.region"() ({
          %run_scoped3A = tpu.sem_alloc : memref<!tpu.dma_semaphore, #tpu.memory_space<semaphore_mem>>
          %dma_start3A_290 = tpu.memref_slice %arg4[%mul3A_29] : memref<6400000xi32, #tpu.memory_space<hbm>> -> memref<512xi32, #tpu.memory_space<hbm>>
          %dma_start3A_291 = tpu.memref_slice %arg4[%mul3A_29] : memref<6400000xi32, #tpu.memory_space<hbm>> -> memref<512xi32, #tpu.memory_space<hbm>>
          tpu.enqueue_dma source(%dma_start3A_291 : memref<512xi32, #tpu.memory_space<hbm>>) target(%arg8 : memref<512xi32, #tpu.memory_space<vmem>>) target_semaphore(%run_scoped3A : memref<!tpu.dma_semaphore, #tpu.memory_space<semaphore_mem>>)
          %dma_wait3A_292 = tpu.memref_slice %arg4[%mul3A_29] : memref<6400000xi32, #tpu.memory_space<hbm>> -> memref<512xi32, #tpu.memory_space<hbm>>
          %dma_wait3A_293 = tpu.memref_slice %arg4[%mul3A_29] : memref<6400000xi32, #tpu.memory_space<hbm>> -> memref<512xi32, #tpu.memory_space<hbm>>
          tpu.wait_dma2 semaphore(%run_scoped3A : memref<!tpu.dma_semaphore, #tpu.memory_space<semaphore_mem>>) src(%dma_wait3A_293 : memref<512xi32, #tpu.memory_space<hbm>>) dst(%arg8 : memref<512xi32, #tpu.memory_space<vmem>>)
          tpu.yield
        }) : () -> ()
        %dma_start3A = arith.constant 0 : i32
        %dma_start3A_30 = arith.constant 0 : i32
        %dma_start3A_31 = tpu.memref_slice %arg9[%dma_start3A, %dma_start3A_30] : memref<512x8xf32, #tpu.memory_space<vmem>> -> memref<64x8xf32, #tpu.memory_space<vmem>>
        %dma_start3A_32 = arith.constant 0 : i32
        %dma_start3A_33 = tpu.memref_slice %arg7[%dma_start3A_32] : memref<512xi32, #tpu.memory_space<vmem>> -> memref<64xi32, #tpu.memory_space<vmem>>
        %dma_start3A_34 = arith.constant 0 : i32
        %dma_start3A_35 = arith.constant 0 : i32
        %dma_start3A_36 = tpu.memref_slice %arg2[%dma_start3A_34, %dma_start3A_35] : memref<100000x8xf32, #tpu.memory_space<hbm>> -> memref<100000x8xf32, #tpu.memory_space<hbm>>
        tpu.enqueue_indirect_dma source(%dma_start3A_36 : memref<100000x8xf32, #tpu.memory_space<hbm>>) target(%dma_start3A_31 : memref<64x8xf32, #tpu.memory_space<vmem>>) offsets(%dma_start3A_33 : memref<64xi32, #tpu.memory_space<vmem>>) semaphore(%arg13 : memref<!tpu.dma_semaphore, #tpu.memory_space<semaphore_mem>>)
        %dma_start3A_37 = arith.constant 0 : i32
        %dma_start3A_38 = arith.constant 0 : i32
        %dma_start3A_39 = tpu.memref_slice %arg10[%dma_start3A_37, %dma_start3A_38] : memref<512x8xf32, #tpu.memory_space<vmem>> -> memref<64x8xf32, #tpu.memory_space<vmem>>
        %dma_start3A_40 = arith.constant 0 : i32
        %dma_start3A_41 = tpu.memref_slice %arg8[%dma_start3A_40] : memref<512xi32, #tpu.memory_space<vmem>> -> memref<64xi32, #tpu.memory_space<vmem>>
        %dma_start3A_42 = arith.constant 0 : i32
        %dma_start3A_43 = arith.constant 0 : i32
        %dma_start3A_44 = tpu.memref_slice %arg2[%dma_start3A_42, %dma_start3A_43] : memref<100000x8xf32, #tpu.memory_space<hbm>> -> memref<100000x8xf32, #tpu.memory_space<hbm>>
        tpu.enqueue_indirect_dma source(%dma_start3A_44 : memref<100000x8xf32, #tpu.memory_space<hbm>>) target(%dma_start3A_39 : memref<64x8xf32, #tpu.memory_space<vmem>>) offsets(%dma_start3A_41 : memref<64xi32, #tpu.memory_space<vmem>>) semaphore(%arg13 : memref<!tpu.dma_semaphore, #tpu.memory_space<semaphore_mem>>)
        %dma_start3A_45 = arith.constant 64 : i32
        %dma_start3A_46 = arith.constant 0 : i32
        %dma_start3A_47 = tpu.memref_slice %arg9[%dma_start3A_45, %dma_start3A_46] : memref<512x8xf32, #tpu.memory_space<vmem>> -> memref<64x8xf32, #tpu.memory_space<vmem>>
        %dma_start3A_48 = arith.constant 64 : i32
        %dma_start3A_49 = tpu.memref_slice %arg7[%dma_start3A_48] : memref<512xi32, #tpu.memory_space<vmem>> -> memref<64xi32, #tpu.memory_space<vmem>>
        %dma_start3A_50 = arith.constant 0 : i32
        %dma_start3A_51 = arith.constant 0 : i32
        %dma_start3A_52 = tpu.memref_slice %arg2[%dma_start3A_50, %dma_start3A_51] : memref<100000x8xf32, #tpu.memory_space<hbm>> -> memref<100000x8xf32, #tpu.memory_space<hbm>>
        tpu.enqueue_indirect_dma source(%dma_start3A_52 : memref<100000x8xf32, #tpu.memory_space<hbm>>) target(%dma_start3A_47 : memref<64x8xf32, #tpu.memory_space<vmem>>) offsets(%dma_start3A_49 : memref<64xi32, #tpu.memory_space<vmem>>) semaphore(%arg13 : memref<!tpu.dma_semaphore, #tpu.memory_space<semaphore_mem>>)
        %dma_start3A_53 = arith.constant 64 : i32
        %dma_start3A_54 = arith.constant 0 : i32
        %dma_start3A_55 = tpu.memref_slice %arg10[%dma_start3A_53, %dma_start3A_54] : memref<512x8xf32, #tpu.memory_space<vmem>> -> memref<64x8xf32, #tpu.memory_space<vmem>>
        %dma_start3A_56 = arith.constant 64 : i32
        %dma_start3A_57 = tpu.memref_slice %arg8[%dma_start3A_56] : memref<512xi32, #tpu.memory_space<vmem>> -> memref<64xi32, #tpu.memory_space<vmem>>
        %dma_start3A_58 = arith.constant 0 : i32
        %dma_start3A_59 = arith.constant 0 : i32
        %dma_start3A_60 = tpu.memref_slice %arg2[%dma_start3A_58, %dma_start3A_59] : memref<100000x8xf32, #tpu.memory_space<hbm>> -> memref<100000x8xf32, #tpu.memory_space<hbm>>
        tpu.enqueue_indirect_dma source(%dma_start3A_60 : memref<100000x8xf32, #tpu.memory_space<hbm>>) target(%dma_start3A_55 : memref<64x8xf32, #tpu.memory_space<vmem>>) offsets(%dma_start3A_57 : memref<64xi32, #tpu.memory_space<vmem>>) semaphore(%arg13 : memref<!tpu.dma_semaphore, #tpu.memory_space<semaphore_mem>>)
        %dma_start3A_61 = arith.constant 128 : i32
        %dma_start3A_62 = arith.constant 0 : i32
        %dma_start3A_63 = tpu.memref_slice %arg9[%dma_start3A_61, %dma_start3A_62] : memref<512x8xf32, #tpu.memory_space<vmem>> -> memref<64x8xf32, #tpu.memory_space<vmem>>
        %dma_start3A_64 = arith.constant 128 : i32
        %dma_start3A_65 = tpu.memref_slice %arg7[%dma_start3A_64] : memref<512xi32, #tpu.memory_space<vmem>> -> memref<64xi32, #tpu.memory_space<vmem>>
        %dma_start3A_66 = arith.constant 0 : i32
        %dma_start3A_67 = arith.constant 0 : i32
        %dma_start3A_68 = tpu.memref_slice %arg2[%dma_start3A_66, %dma_start3A_67] : memref<100000x8xf32, #tpu.memory_space<hbm>> -> memref<100000x8xf32, #tpu.memory_space<hbm>>
        tpu.enqueue_indirect_dma source(%dma_start3A_68 : memref<100000x8xf32, #tpu.memory_space<hbm>>) target(%dma_start3A_63 : memref<64x8xf32, #tpu.memory_space<vmem>>) offsets(%dma_start3A_65 : memref<64xi32, #tpu.memory_space<vmem>>) semaphore(%arg13 : memref<!tpu.dma_semaphore, #tpu.memory_space<semaphore_mem>>)
        %dma_start3A_69 = arith.constant 128 : i32
        %dma_start3A_70 = arith.constant 0 : i32
        %dma_start3A_71 = tpu.memref_slice %arg10[%dma_start3A_69, %dma_start3A_70] : memref<512x8xf32, #tpu.memory_space<vmem>> -> memref<64x8xf32, #tpu.memory_space<vmem>>
        %dma_start3A_72 = arith.constant 128 : i32
        %dma_start3A_73 = tpu.memref_slice %arg8[%dma_start3A_72] : memref<512xi32, #tpu.memory_space<vmem>> -> memref<64xi32, #tpu.memory_space<vmem>>
        %dma_start3A_74 = arith.constant 0 : i32
        %dma_start3A_75 = arith.constant 0 : i32
        %dma_start3A_76 = tpu.memref_slice %arg2[%dma_start3A_74, %dma_start3A_75] : memref<100000x8xf32, #tpu.memory_space<hbm>> -> memref<100000x8xf32, #tpu.memory_space<hbm>>
        tpu.enqueue_indirect_dma source(%dma_start3A_76 : memref<100000x8xf32, #tpu.memory_space<hbm>>) target(%dma_start3A_71 : memref<64x8xf32, #tpu.memory_space<vmem>>) offsets(%dma_start3A_73 : memref<64xi32, #tpu.memory_space<vmem>>) semaphore(%arg13 : memref<!tpu.dma_semaphore, #tpu.memory_space<semaphore_mem>>)
        %dma_start3A_77 = arith.constant 192 : i32
        %dma_start3A_78 = arith.constant 0 : i32
        %dma_start3A_79 = tpu.memref_slice %arg9[%dma_start3A_77, %dma_start3A_78] : memref<512x8xf32, #tpu.memory_space<vmem>> -> memref<64x8xf32, #tpu.memory_space<vmem>>
        %dma_start3A_80 = arith.constant 192 : i32
        %dma_start3A_81 = tpu.memref_slice %arg7[%dma_start3A_80] : memref<512xi32, #tpu.memory_space<vmem>> -> memref<64xi32, #tpu.memory_space<vmem>>
        %dma_start3A_82 = arith.constant 0 : i32
        %dma_start3A_83 = arith.constant 0 : i32
        %dma_start3A_84 = tpu.memref_slice %arg2[%dma_start3A_82, %dma_start3A_83] : memref<100000x8xf32, #tpu.memory_space<hbm>> -> memref<100000x8xf32, #tpu.memory_space<hbm>>
        tpu.enqueue_indirect_dma source(%dma_start3A_84 : memref<100000x8xf32, #tpu.memory_space<hbm>>) target(%dma_start3A_79 : memref<64x8xf32, #tpu.memory_space<vmem>>) offsets(%dma_start3A_81 : memref<64xi32, #tpu.memory_space<vmem>>) semaphore(%arg13 : memref<!tpu.dma_semaphore, #tpu.memory_space<semaphore_mem>>)
        %dma_start3A_85 = arith.constant 192 : i32
        %dma_start3A_86 = arith.constant 0 : i32
        %dma_start3A_87 = tpu.memref_slice %arg10[%dma_start3A_85, %dma_start3A_86] : memref<512x8xf32, #tpu.memory_space<vmem>> -> memref<64x8xf32, #tpu.memory_space<vmem>>
        %dma_start3A_88 = arith.constant 192 : i32
        %dma_start3A_89 = tpu.memref_slice %arg8[%dma_start3A_88] : memref<512xi32, #tpu.memory_space<vmem>> -> memref<64xi32, #tpu.memory_space<vmem>>
        %dma_start3A_90 = arith.constant 0 : i32
        %dma_start3A_91 = arith.constant 0 : i32
        %dma_start3A_92 = tpu.memref_slice %arg2[%dma_start3A_90, %dma_start3A_91] : memref<100000x8xf32, #tpu.memory_space<hbm>> -> memref<100000x8xf32, #tpu.memory_space<hbm>>
        tpu.enqueue_indirect_dma source(%dma_start3A_92 : memref<100000x8xf32, #tpu.memory_space<hbm>>) target(%dma_start3A_87 : memref<64x8xf32, #tpu.memory_space<vmem>>) offsets(%dma_start3A_89 : memref<64xi32, #tpu.memory_space<vmem>>) semaphore(%arg13 : memref<!tpu.dma_semaphore, #tpu.memory_space<semaphore_mem>>)
        %dma_start3A_93 = arith.constant 256 : i32
        %dma_start3A_94 = arith.constant 0 : i32
        %dma_start3A_95 = tpu.memref_slice %arg9[%dma_start3A_93, %dma_start3A_94] : memref<512x8xf32, #tpu.memory_space<vmem>> -> memref<64x8xf32, #tpu.memory_space<vmem>>
        %dma_start3A_96 = arith.constant 256 : i32
        %dma_start3A_97 = tpu.memref_slice %arg7[%dma_start3A_96] : memref<512xi32, #tpu.memory_space<vmem>> -> memref<64xi32, #tpu.memory_space<vmem>>
        %dma_start3A_98 = arith.constant 0 : i32
        %dma_start3A_99 = arith.constant 0 : i32
        %dma_start3A_100 = tpu.memref_slice %arg2[%dma_start3A_98, %dma_start3A_99] : memref<100000x8xf32, #tpu.memory_space<hbm>> -> memref<100000x8xf32, #tpu.memory_space<hbm>>
        tpu.enqueue_indirect_dma source(%dma_start3A_100 : memref<100000x8xf32, #tpu.memory_space<hbm>>) target(%dma_start3A_95 : memref<64x8xf32, #tpu.memory_space<vmem>>) offsets(%dma_start3A_97 : memref<64xi32, #tpu.memory_space<vmem>>) semaphore(%arg13 : memref<!tpu.dma_semaphore, #tpu.memory_space<semaphore_mem>>)
        %dma_start3A_101 = arith.constant 256 : i32
        %dma_start3A_102 = arith.constant 0 : i32
        %dma_start3A_103 = tpu.memref_slice %arg10[%dma_start3A_101, %dma_start3A_102] : memref<512x8xf32, #tpu.memory_space<vmem>> -> memref<64x8xf32, #tpu.memory_space<vmem>>
        %dma_start3A_104 = arith.constant 256 : i32
        %dma_start3A_105 = tpu.memref_slice %arg8[%dma_start3A_104] : memref<512xi32, #tpu.memory_space<vmem>> -> memref<64xi32, #tpu.memory_space<vmem>>
        %dma_start3A_106 = arith.constant 0 : i32
        %dma_start3A_107 = arith.constant 0 : i32
        %dma_start3A_108 = tpu.memref_slice %arg2[%dma_start3A_106, %dma_start3A_107] : memref<100000x8xf32, #tpu.memory_space<hbm>> -> memref<100000x8xf32, #tpu.memory_space<hbm>>
        tpu.enqueue_indirect_dma source(%dma_start3A_108 : memref<100000x8xf32, #tpu.memory_space<hbm>>) target(%dma_start3A_103 : memref<64x8xf32, #tpu.memory_space<vmem>>) offsets(%dma_start3A_105 : memref<64xi32, #tpu.memory_space<vmem>>) semaphore(%arg13 : memref<!tpu.dma_semaphore, #tpu.memory_space<semaphore_mem>>)
        %dma_start3A_109 = arith.constant 320 : i32
        %dma_start3A_110 = arith.constant 0 : i32
        %dma_start3A_111 = tpu.memref_slice %arg9[%dma_start3A_109, %dma_start3A_110] : memref<512x8xf32, #tpu.memory_space<vmem>> -> memref<64x8xf32, #tpu.memory_space<vmem>>
        %dma_start3A_112 = arith.constant 320 : i32
        %dma_start3A_113 = tpu.memref_slice %arg7[%dma_start3A_112] : memref<512xi32, #tpu.memory_space<vmem>> -> memref<64xi32, #tpu.memory_space<vmem>>
        %dma_start3A_114 = arith.constant 0 : i32
        %dma_start3A_115 = arith.constant 0 : i32
        %dma_start3A_116 = tpu.memref_slice %arg2[%dma_start3A_114, %dma_start3A_115] : memref<100000x8xf32, #tpu.memory_space<hbm>> -> memref<100000x8xf32, #tpu.memory_space<hbm>>
        tpu.enqueue_indirect_dma source(%dma_start3A_116 : memref<100000x8xf32, #tpu.memory_space<hbm>>) target(%dma_start3A_111 : memref<64x8xf32, #tpu.memory_space<vmem>>) offsets(%dma_start3A_113 : memref<64xi32, #tpu.memory_space<vmem>>) semaphore(%arg13 : memref<!tpu.dma_semaphore, #tpu.memory_space<semaphore_mem>>)
        %dma_start3A_117 = arith.constant 320 : i32
        %dma_start3A_118 = arith.constant 0 : i32
        %dma_start3A_119 = tpu.memref_slice %arg10[%dma_start3A_117, %dma_start3A_118] : memref<512x8xf32, #tpu.memory_space<vmem>> -> memref<64x8xf32, #tpu.memory_space<vmem>>
        %dma_start3A_120 = arith.constant 320 : i32
        %dma_start3A_121 = tpu.memref_slice %arg8[%dma_start3A_120] : memref<512xi32, #tpu.memory_space<vmem>> -> memref<64xi32, #tpu.memory_space<vmem>>
        %dma_start3A_122 = arith.constant 0 : i32
        %dma_start3A_123 = arith.constant 0 : i32
        %dma_start3A_124 = tpu.memref_slice %arg2[%dma_start3A_122, %dma_start3A_123] : memref<100000x8xf32, #tpu.memory_space<hbm>> -> memref<100000x8xf32, #tpu.memory_space<hbm>>
        tpu.enqueue_indirect_dma source(%dma_start3A_124 : memref<100000x8xf32, #tpu.memory_space<hbm>>) target(%dma_start3A_119 : memref<64x8xf32, #tpu.memory_space<vmem>>) offsets(%dma_start3A_121 : memref<64xi32, #tpu.memory_space<vmem>>) semaphore(%arg13 : memref<!tpu.dma_semaphore, #tpu.memory_space<semaphore_mem>>)
        %dma_start3A_125 = arith.constant 384 : i32
        %dma_start3A_126 = arith.constant 0 : i32
        %dma_start3A_127 = tpu.memref_slice %arg9[%dma_start3A_125, %dma_start3A_126] : memref<512x8xf32, #tpu.memory_space<vmem>> -> memref<64x8xf32, #tpu.memory_space<vmem>>
        %dma_start3A_128 = arith.constant 384 : i32
        %dma_start3A_129 = tpu.memref_slice %arg7[%dma_start3A_128] : memref<512xi32, #tpu.memory_space<vmem>> -> memref<64xi32, #tpu.memory_space<vmem>>
        %dma_start3A_130 = arith.constant 0 : i32
        %dma_start3A_131 = arith.constant 0 : i32
        %dma_start3A_132 = tpu.memref_slice %arg2[%dma_start3A_130, %dma_start3A_131] : memref<100000x8xf32, #tpu.memory_space<hbm>> -> memref<100000x8xf32, #tpu.memory_space<hbm>>
        tpu.enqueue_indirect_dma source(%dma_start3A_132 : memref<100000x8xf32, #tpu.memory_space<hbm>>) target(%dma_start3A_127 : memref<64x8xf32, #tpu.memory_space<vmem>>) offsets(%dma_start3A_129 : memref<64xi32, #tpu.memory_space<vmem>>) semaphore(%arg13 : memref<!tpu.dma_semaphore, #tpu.memory_space<semaphore_mem>>)
        %dma_start3A_133 = arith.constant 384 : i32
        %dma_start3A_134 = arith.constant 0 : i32
        %dma_start3A_135 = tpu.memref_slice %arg10[%dma_start3A_133, %dma_start3A_134] : memref<512x8xf32, #tpu.memory_space<vmem>> -> memref<64x8xf32, #tpu.memory_space<vmem>>
        %dma_start3A_136 = arith.constant 384 : i32
        %dma_start3A_137 = tpu.memref_slice %arg8[%dma_start3A_136] : memref<512xi32, #tpu.memory_space<vmem>> -> memref<64xi32, #tpu.memory_space<vmem>>
        %dma_start3A_138 = arith.constant 0 : i32
        %dma_start3A_139 = arith.constant 0 : i32
        %dma_start3A_140 = tpu.memref_slice %arg2[%dma_start3A_138, %dma_start3A_139] : memref<100000x8xf32, #tpu.memory_space<hbm>> -> memref<100000x8xf32, #tpu.memory_space<hbm>>
        tpu.enqueue_indirect_dma source(%dma_start3A_140 : memref<100000x8xf32, #tpu.memory_space<hbm>>) target(%dma_start3A_135 : memref<64x8xf32, #tpu.memory_space<vmem>>) offsets(%dma_start3A_137 : memref<64xi32, #tpu.memory_space<vmem>>) semaphore(%arg13 : memref<!tpu.dma_semaphore, #tpu.memory_space<semaphore_mem>>)
        %dma_start3A_141 = arith.constant 448 : i32
        %dma_start3A_142 = arith.constant 0 : i32
        %dma_start3A_143 = tpu.memref_slice %arg9[%dma_start3A_141, %dma_start3A_142] : memref<512x8xf32, #tpu.memory_space<vmem>> -> memref<64x8xf32, #tpu.memory_space<vmem>>
        %dma_start3A_144 = arith.constant 448 : i32
        %dma_start3A_145 = tpu.memref_slice %arg7[%dma_start3A_144] : memref<512xi32, #tpu.memory_space<vmem>> -> memref<64xi32, #tpu.memory_space<vmem>>
        %dma_start3A_146 = arith.constant 0 : i32
        %dma_start3A_147 = arith.constant 0 : i32
        %dma_start3A_148 = tpu.memref_slice %arg2[%dma_start3A_146, %dma_start3A_147] : memref<100000x8xf32, #tpu.memory_space<hbm>> -> memref<100000x8xf32, #tpu.memory_space<hbm>>
        tpu.enqueue_indirect_dma source(%dma_start3A_148 : memref<100000x8xf32, #tpu.memory_space<hbm>>) target(%dma_start3A_143 : memref<64x8xf32, #tpu.memory_space<vmem>>) offsets(%dma_start3A_145 : memref<64xi32, #tpu.memory_space<vmem>>) semaphore(%arg13 : memref<!tpu.dma_semaphore, #tpu.memory_space<semaphore_mem>>)
        %dma_start3A_149 = arith.constant 448 : i32
        %dma_start3A_150 = arith.constant 0 : i32
        %dma_start3A_151 = tpu.memref_slice %arg10[%dma_start3A_149, %dma_start3A_150] : memref<512x8xf32, #tpu.memory_space<vmem>> -> memref<64x8xf32, #tpu.memory_space<vmem>>
        %dma_start3A_152 = arith.constant 448 : i32
        %dma_start3A_153 = tpu.memref_slice %arg8[%dma_start3A_152] : memref<512xi32, #tpu.memory_space<vmem>> -> memref<64xi32, #tpu.memory_space<vmem>>
        %dma_start3A_154 = arith.constant 0 : i32
        %dma_start3A_155 = arith.constant 0 : i32
        %dma_start3A_156 = tpu.memref_slice %arg2[%dma_start3A_154, %dma_start3A_155] : memref<100000x8xf32, #tpu.memory_space<hbm>> -> memref<100000x8xf32, #tpu.memory_space<hbm>>
        tpu.enqueue_indirect_dma source(%dma_start3A_156 : memref<100000x8xf32, #tpu.memory_space<hbm>>) target(%dma_start3A_151 : memref<64x8xf32, #tpu.memory_space<vmem>>) offsets(%dma_start3A_153 : memref<64xi32, #tpu.memory_space<vmem>>) semaphore(%arg13 : memref<!tpu.dma_semaphore, #tpu.memory_space<semaphore_mem>>)
        %dma_wait3A = arith.constant 0 : i32
        %dma_wait3A_157 = arith.constant 0 : i32
        %dma_wait3A_158 = tpu.memref_slice %arg9[%dma_wait3A, %dma_wait3A_157] : memref<512x8xf32, #tpu.memory_space<vmem>> -> memref<64x8xf32, #tpu.memory_space<vmem>>
        %dma_wait3A_159 = arith.constant 0 : i32
        %dma_wait3A_160 = tpu.memref_slice %arg7[%dma_wait3A_159] : memref<512xi32, #tpu.memory_space<vmem>> -> memref<64xi32, #tpu.memory_space<vmem>>
        %dma_wait3A_161 = arith.constant 0 : i32
        %dma_wait3A_162 = arith.constant 0 : i32
        %dma_wait3A_163 = tpu.memref_slice %arg2[%dma_wait3A_161, %dma_wait3A_162] : memref<100000x8xf32, #tpu.memory_space<hbm>> -> memref<100000x8xf32, #tpu.memory_space<hbm>>
        tpu.wait_indirect_dma semaphore(%arg13 : memref<!tpu.dma_semaphore, #tpu.memory_space<semaphore_mem>>) src(%dma_wait3A_163 : memref<100000x8xf32, #tpu.memory_space<hbm>>) dst(%dma_wait3A_158 : memref<64x8xf32, #tpu.memory_space<vmem>>)
        %dma_wait3A_164 = arith.constant 0 : i32
        %dma_wait3A_165 = arith.constant 0 : i32
        %dma_wait3A_166 = tpu.memref_slice %arg10[%dma_wait3A_164, %dma_wait3A_165] : memref<512x8xf32, #tpu.memory_space<vmem>> -> memref<64x8xf32, #tpu.memory_space<vmem>>
        %dma_wait3A_167 = arith.constant 0 : i32
        %dma_wait3A_168 = tpu.memref_slice %arg8[%dma_wait3A_167] : memref<512xi32, #tpu.memory_space<vmem>> -> memref<64xi32, #tpu.memory_space<vmem>>
        %dma_wait3A_169 = arith.constant 0 : i32
        %dma_wait3A_170 = arith.constant 0 : i32
        %dma_wait3A_171 = tpu.memref_slice %arg2[%dma_wait3A_169, %dma_wait3A_170] : memref<100000x8xf32, #tpu.memory_space<hbm>> -> memref<100000x8xf32, #tpu.memory_space<hbm>>
        tpu.wait_indirect_dma semaphore(%arg13 : memref<!tpu.dma_semaphore, #tpu.memory_space<semaphore_mem>>) src(%dma_wait3A_171 : memref<100000x8xf32, #tpu.memory_space<hbm>>) dst(%dma_wait3A_166 : memref<64x8xf32, #tpu.memory_space<vmem>>)
        %dma_wait3A_172 = arith.constant 64 : i32
        %dma_wait3A_173 = arith.constant 0 : i32
        %dma_wait3A_174 = tpu.memref_slice %arg9[%dma_wait3A_172, %dma_wait3A_173] : memref<512x8xf32, #tpu.memory_space<vmem>> -> memref<64x8xf32, #tpu.memory_space<vmem>>
        %dma_wait3A_175 = arith.constant 64 : i32
        %dma_wait3A_176 = tpu.memref_slice %arg7[%dma_wait3A_175] : memref<512xi32, #tpu.memory_space<vmem>> -> memref<64xi32, #tpu.memory_space<vmem>>
        %dma_wait3A_177 = arith.constant 0 : i32
        %dma_wait3A_178 = arith.constant 0 : i32
        %dma_wait3A_179 = tpu.memref_slice %arg2[%dma_wait3A_177, %dma_wait3A_178] : memref<100000x8xf32, #tpu.memory_space<hbm>> -> memref<100000x8xf32, #tpu.memory_space<hbm>>
        tpu.wait_indirect_dma semaphore(%arg13 : memref<!tpu.dma_semaphore, #tpu.memory_space<semaphore_mem>>) src(%dma_wait3A_179 : memref<100000x8xf32, #tpu.memory_space<hbm>>) dst(%dma_wait3A_174 : memref<64x8xf32, #tpu.memory_space<vmem>>)
        %dma_wait3A_180 = arith.constant 64 : i32
        %dma_wait3A_181 = arith.constant 0 : i32
        %dma_wait3A_182 = tpu.memref_slice %arg10[%dma_wait3A_180, %dma_wait3A_181] : memref<512x8xf32, #tpu.memory_space<vmem>> -> memref<64x8xf32, #tpu.memory_space<vmem>>
        %dma_wait3A_183 = arith.constant 64 : i32
        %dma_wait3A_184 = tpu.memref_slice %arg8[%dma_wait3A_183] : memref<512xi32, #tpu.memory_space<vmem>> -> memref<64xi32, #tpu.memory_space<vmem>>
        %dma_wait3A_185 = arith.constant 0 : i32
        %dma_wait3A_186 = arith.constant 0 : i32
        %dma_wait3A_187 = tpu.memref_slice %arg2[%dma_wait3A_185, %dma_wait3A_186] : memref<100000x8xf32, #tpu.memory_space<hbm>> -> memref<100000x8xf32, #tpu.memory_space<hbm>>
        tpu.wait_indirect_dma semaphore(%arg13 : memref<!tpu.dma_semaphore, #tpu.memory_space<semaphore_mem>>) src(%dma_wait3A_187 : memref<100000x8xf32, #tpu.memory_space<hbm>>) dst(%dma_wait3A_182 : memref<64x8xf32, #tpu.memory_space<vmem>>)
        %dma_wait3A_188 = arith.constant 128 : i32
        %dma_wait3A_189 = arith.constant 0 : i32
        %dma_wait3A_190 = tpu.memref_slice %arg9[%dma_wait3A_188, %dma_wait3A_189] : memref<512x8xf32, #tpu.memory_space<vmem>> -> memref<64x8xf32, #tpu.memory_space<vmem>>
        %dma_wait3A_191 = arith.constant 128 : i32
        %dma_wait3A_192 = tpu.memref_slice %arg7[%dma_wait3A_191] : memref<512xi32, #tpu.memory_space<vmem>> -> memref<64xi32, #tpu.memory_space<vmem>>
        %dma_wait3A_193 = arith.constant 0 : i32
        %dma_wait3A_194 = arith.constant 0 : i32
        %dma_wait3A_195 = tpu.memref_slice %arg2[%dma_wait3A_193, %dma_wait3A_194] : memref<100000x8xf32, #tpu.memory_space<hbm>> -> memref<100000x8xf32, #tpu.memory_space<hbm>>
        tpu.wait_indirect_dma semaphore(%arg13 : memref<!tpu.dma_semaphore, #tpu.memory_space<semaphore_mem>>) src(%dma_wait3A_195 : memref<100000x8xf32, #tpu.memory_space<hbm>>) dst(%dma_wait3A_190 : memref<64x8xf32, #tpu.memory_space<vmem>>)
        %dma_wait3A_196 = arith.constant 128 : i32
        %dma_wait3A_197 = arith.constant 0 : i32
        %dma_wait3A_198 = tpu.memref_slice %arg10[%dma_wait3A_196, %dma_wait3A_197] : memref<512x8xf32, #tpu.memory_space<vmem>> -> memref<64x8xf32, #tpu.memory_space<vmem>>
        %dma_wait3A_199 = arith.constant 128 : i32
        %dma_wait3A_200 = tpu.memref_slice %arg8[%dma_wait3A_199] : memref<512xi32, #tpu.memory_space<vmem>> -> memref<64xi32, #tpu.memory_space<vmem>>
        %dma_wait3A_201 = arith.constant 0 : i32
        %dma_wait3A_202 = arith.constant 0 : i32
        %dma_wait3A_203 = tpu.memref_slice %arg2[%dma_wait3A_201, %dma_wait3A_202] : memref<100000x8xf32, #tpu.memory_space<hbm>> -> memref<100000x8xf32, #tpu.memory_space<hbm>>
        tpu.wait_indirect_dma semaphore(%arg13 : memref<!tpu.dma_semaphore, #tpu.memory_space<semaphore_mem>>) src(%dma_wait3A_203 : memref<100000x8xf32, #tpu.memory_space<hbm>>) dst(%dma_wait3A_198 : memref<64x8xf32, #tpu.memory_space<vmem>>)
        %dma_wait3A_204 = arith.constant 192 : i32
        %dma_wait3A_205 = arith.constant 0 : i32
        %dma_wait3A_206 = tpu.memref_slice %arg9[%dma_wait3A_204, %dma_wait3A_205] : memref<512x8xf32, #tpu.memory_space<vmem>> -> memref<64x8xf32, #tpu.memory_space<vmem>>
        %dma_wait3A_207 = arith.constant 192 : i32
        %dma_wait3A_208 = tpu.memref_slice %arg7[%dma_wait3A_207] : memref<512xi32, #tpu.memory_space<vmem>> -> memref<64xi32, #tpu.memory_space<vmem>>
        %dma_wait3A_209 = arith.constant 0 : i32
        %dma_wait3A_210 = arith.constant 0 : i32
        %dma_wait3A_211 = tpu.memref_slice %arg2[%dma_wait3A_209, %dma_wait3A_210] : memref<100000x8xf32, #tpu.memory_space<hbm>> -> memref<100000x8xf32, #tpu.memory_space<hbm>>
        tpu.wait_indirect_dma semaphore(%arg13 : memref<!tpu.dma_semaphore, #tpu.memory_space<semaphore_mem>>) src(%dma_wait3A_211 : memref<100000x8xf32, #tpu.memory_space<hbm>>) dst(%dma_wait3A_206 : memref<64x8xf32, #tpu.memory_space<vmem>>)
        %dma_wait3A_212 = arith.constant 192 : i32
        %dma_wait3A_213 = arith.constant 0 : i32
        %dma_wait3A_214 = tpu.memref_slice %arg10[%dma_wait3A_212, %dma_wait3A_213] : memref<512x8xf32, #tpu.memory_space<vmem>> -> memref<64x8xf32, #tpu.memory_space<vmem>>
        %dma_wait3A_215 = arith.constant 192 : i32
        %dma_wait3A_216 = tpu.memref_slice %arg8[%dma_wait3A_215] : memref<512xi32, #tpu.memory_space<vmem>> -> memref<64xi32, #tpu.memory_space<vmem>>
        %dma_wait3A_217 = arith.constant 0 : i32
        %dma_wait3A_218 = arith.constant 0 : i32
        %dma_wait3A_219 = tpu.memref_slice %arg2[%dma_wait3A_217, %dma_wait3A_218] : memref<100000x8xf32, #tpu.memory_space<hbm>> -> memref<100000x8xf32, #tpu.memory_space<hbm>>
        tpu.wait_indirect_dma semaphore(%arg13 : memref<!tpu.dma_semaphore, #tpu.memory_space<semaphore_mem>>) src(%dma_wait3A_219 : memref<100000x8xf32, #tpu.memory_space<hbm>>) dst(%dma_wait3A_214 : memref<64x8xf32, #tpu.memory_space<vmem>>)
        %dma_wait3A_220 = arith.constant 256 : i32
        %dma_wait3A_221 = arith.constant 0 : i32
        %dma_wait3A_222 = tpu.memref_slice %arg9[%dma_wait3A_220, %dma_wait3A_221] : memref<512x8xf32, #tpu.memory_space<vmem>> -> memref<64x8xf32, #tpu.memory_space<vmem>>
        %dma_wait3A_223 = arith.constant 256 : i32
        %dma_wait3A_224 = tpu.memref_slice %arg7[%dma_wait3A_223] : memref<512xi32, #tpu.memory_space<vmem>> -> memref<64xi32, #tpu.memory_space<vmem>>
        %dma_wait3A_225 = arith.constant 0 : i32
        %dma_wait3A_226 = arith.constant 0 : i32
        %dma_wait3A_227 = tpu.memref_slice %arg2[%dma_wait3A_225, %dma_wait3A_226] : memref<100000x8xf32, #tpu.memory_space<hbm>> -> memref<100000x8xf32, #tpu.memory_space<hbm>>
        tpu.wait_indirect_dma semaphore(%arg13 : memref<!tpu.dma_semaphore, #tpu.memory_space<semaphore_mem>>) src(%dma_wait3A_227 : memref<100000x8xf32, #tpu.memory_space<hbm>>) dst(%dma_wait3A_222 : memref<64x8xf32, #tpu.memory_space<vmem>>)
        %dma_wait3A_228 = arith.constant 256 : i32
        %dma_wait3A_229 = arith.constant 0 : i32
        %dma_wait3A_230 = tpu.memref_slice %arg10[%dma_wait3A_228, %dma_wait3A_229] : memref<512x8xf32, #tpu.memory_space<vmem>> -> memref<64x8xf32, #tpu.memory_space<vmem>>
        %dma_wait3A_231 = arith.constant 256 : i32
        %dma_wait3A_232 = tpu.memref_slice %arg8[%dma_wait3A_231] : memref<512xi32, #tpu.memory_space<vmem>> -> memref<64xi32, #tpu.memory_space<vmem>>
        %dma_wait3A_233 = arith.constant 0 : i32
        %dma_wait3A_234 = arith.constant 0 : i32
        %dma_wait3A_235 = tpu.memref_slice %arg2[%dma_wait3A_233, %dma_wait3A_234] : memref<100000x8xf32, #tpu.memory_space<hbm>> -> memref<100000x8xf32, #tpu.memory_space<hbm>>
        tpu.wait_indirect_dma semaphore(%arg13 : memref<!tpu.dma_semaphore, #tpu.memory_space<semaphore_mem>>) src(%dma_wait3A_235 : memref<100000x8xf32, #tpu.memory_space<hbm>>) dst(%dma_wait3A_230 : memref<64x8xf32, #tpu.memory_space<vmem>>)
        %dma_wait3A_236 = arith.constant 320 : i32
        %dma_wait3A_237 = arith.constant 0 : i32
        %dma_wait3A_238 = tpu.memref_slice %arg9[%dma_wait3A_236, %dma_wait3A_237] : memref<512x8xf32, #tpu.memory_space<vmem>> -> memref<64x8xf32, #tpu.memory_space<vmem>>
        %dma_wait3A_239 = arith.constant 320 : i32
        %dma_wait3A_240 = tpu.memref_slice %arg7[%dma_wait3A_239] : memref<512xi32, #tpu.memory_space<vmem>> -> memref<64xi32, #tpu.memory_space<vmem>>
        %dma_wait3A_241 = arith.constant 0 : i32
        %dma_wait3A_242 = arith.constant 0 : i32
        %dma_wait3A_243 = tpu.memref_slice %arg2[%dma_wait3A_241, %dma_wait3A_242] : memref<100000x8xf32, #tpu.memory_space<hbm>> -> memref<100000x8xf32, #tpu.memory_space<hbm>>
        tpu.wait_indirect_dma semaphore(%arg13 : memref<!tpu.dma_semaphore, #tpu.memory_space<semaphore_mem>>) src(%dma_wait3A_243 : memref<100000x8xf32, #tpu.memory_space<hbm>>) dst(%dma_wait3A_238 : memref<64x8xf32, #tpu.memory_space<vmem>>)
        %dma_wait3A_244 = arith.constant 320 : i32
        %dma_wait3A_245 = arith.constant 0 : i32
        %dma_wait3A_246 = tpu.memref_slice %arg10[%dma_wait3A_244, %dma_wait3A_245] : memref<512x8xf32, #tpu.memory_space<vmem>> -> memref<64x8xf32, #tpu.memory_space<vmem>>
        %dma_wait3A_247 = arith.constant 320 : i32
        %dma_wait3A_248 = tpu.memref_slice %arg8[%dma_wait3A_247] : memref<512xi32, #tpu.memory_space<vmem>> -> memref<64xi32, #tpu.memory_space<vmem>>
        %dma_wait3A_249 = arith.constant 0 : i32
        %dma_wait3A_250 = arith.constant 0 : i32
        %dma_wait3A_251 = tpu.memref_slice %arg2[%dma_wait3A_249, %dma_wait3A_250] : memref<100000x8xf32, #tpu.memory_space<hbm>> -> memref<100000x8xf32, #tpu.memory_space<hbm>>
        tpu.wait_indirect_dma semaphore(%arg13 : memref<!tpu.dma_semaphore, #tpu.memory_space<semaphore_mem>>) src(%dma_wait3A_251 : memref<100000x8xf32, #tpu.memory_space<hbm>>) dst(%dma_wait3A_246 : memref<64x8xf32, #tpu.memory_space<vmem>>)
        %dma_wait3A_252 = arith.constant 384 : i32
        %dma_wait3A_253 = arith.constant 0 : i32
        %dma_wait3A_254 = tpu.memref_slice %arg9[%dma_wait3A_252, %dma_wait3A_253] : memref<512x8xf32, #tpu.memory_space<vmem>> -> memref<64x8xf32, #tpu.memory_space<vmem>>
        %dma_wait3A_255 = arith.constant 384 : i32
        %dma_wait3A_256 = tpu.memref_slice %arg7[%dma_wait3A_255] : memref<512xi32, #tpu.memory_space<vmem>> -> memref<64xi32, #tpu.memory_space<vmem>>
        %dma_wait3A_257 = arith.constant 0 : i32
        %dma_wait3A_258 = arith.constant 0 : i32
        %dma_wait3A_259 = tpu.memref_slice %arg2[%dma_wait3A_257, %dma_wait3A_258] : memref<100000x8xf32, #tpu.memory_space<hbm>> -> memref<100000x8xf32, #tpu.memory_space<hbm>>
        tpu.wait_indirect_dma semaphore(%arg13 : memref<!tpu.dma_semaphore, #tpu.memory_space<semaphore_mem>>) src(%dma_wait3A_259 : memref<100000x8xf32, #tpu.memory_space<hbm>>) dst(%dma_wait3A_254 : memref<64x8xf32, #tpu.memory_space<vmem>>)
        %dma_wait3A_260 = arith.constant 384 : i32
        %dma_wait3A_261 = arith.constant 0 : i32
        %dma_wait3A_262 = tpu.memref_slice %arg10[%dma_wait3A_260, %dma_wait3A_261] : memref<512x8xf32, #tpu.memory_space<vmem>> -> memref<64x8xf32, #tpu.memory_space<vmem>>
        %dma_wait3A_263 = arith.constant 384 : i32
        %dma_wait3A_264 = tpu.memref_slice %arg8[%dma_wait3A_263] : memref<512xi32, #tpu.memory_space<vmem>> -> memref<64xi32, #tpu.memory_space<vmem>>
        %dma_wait3A_265 = arith.constant 0 : i32
        %dma_wait3A_266 = arith.constant 0 : i32
        %dma_wait3A_267 = tpu.memref_slice %arg2[%dma_wait3A_265, %dma_wait3A_266] : memref<100000x8xf32, #tpu.memory_space<hbm>> -> memref<100000x8xf32, #tpu.memory_space<hbm>>
        tpu.wait_indirect_dma semaphore(%arg13 : memref<!tpu.dma_semaphore, #tpu.memory_space<semaphore_mem>>) src(%dma_wait3A_267 : memref<100000x8xf32, #tpu.memory_space<hbm>>) dst(%dma_wait3A_262 : memref<64x8xf32, #tpu.memory_space<vmem>>)
        %dma_wait3A_268 = arith.constant 448 : i32
        %dma_wait3A_269 = arith.constant 0 : i32
        %dma_wait3A_270 = tpu.memref_slice %arg9[%dma_wait3A_268, %dma_wait3A_269] : memref<512x8xf32, #tpu.memory_space<vmem>> -> memref<64x8xf32, #tpu.memory_space<vmem>>
        %dma_wait3A_271 = arith.constant 448 : i32
        %dma_wait3A_272 = tpu.memref_slice %arg7[%dma_wait3A_271] : memref<512xi32, #tpu.memory_space<vmem>> -> memref<64xi32, #tpu.memory_space<vmem>>
        %dma_wait3A_273 = arith.constant 0 : i32
        %dma_wait3A_274 = arith.constant 0 : i32
        %dma_wait3A_275 = tpu.memref_slice %arg2[%dma_wait3A_273, %dma_wait3A_274] : memref<100000x8xf32, #tpu.memory_space<hbm>> -> memref<100000x8xf32, #tpu.memory_space<hbm>>
        tpu.wait_indirect_dma semaphore(%arg13 : memref<!tpu.dma_semaphore, #tpu.memory_space<semaphore_mem>>) src(%dma_wait3A_275 : memref<100000x8xf32, #tpu.memory_space<hbm>>) dst(%dma_wait3A_270 : memref<64x8xf32, #tpu.memory_space<vmem>>)
        %dma_wait3A_276 = arith.constant 448 : i32
        %dma_wait3A_277 = arith.constant 0 : i32
        %dma_wait3A_278 = tpu.memref_slice %arg10[%dma_wait3A_276, %dma_wait3A_277] : memref<512x8xf32, #tpu.memory_space<vmem>> -> memref<64x8xf32, #tpu.memory_space<vmem>>
        %dma_wait3A_279 = arith.constant 448 : i32
        %dma_wait3A_280 = tpu.memref_slice %arg8[%dma_wait3A_279] : memref<512xi32, #tpu.memory_space<vmem>> -> memref<64xi32, #tpu.memory_space<vmem>>
        %dma_wait3A_281 = arith.constant 0 : i32
        %dma_wait3A_282 = arith.constant 0 : i32
        %dma_wait3A_283 = tpu.memref_slice %arg2[%dma_wait3A_281, %dma_wait3A_282] : memref<100000x8xf32, #tpu.memory_space<hbm>> -> memref<100000x8xf32, #tpu.memory_space<hbm>>
        tpu.wait_indirect_dma semaphore(%arg13 : memref<!tpu.dma_semaphore, #tpu.memory_space<semaphore_mem>>) src(%dma_wait3A_283 : memref<100000x8xf32, #tpu.memory_space<hbm>>) dst(%dma_wait3A_278 : memref<64x8xf32, #tpu.memory_space<vmem>>)
        %scan3A_284 = arith.constant 0 : i32
        %scan3A_285 = arith.constant 0 : i32
        %scan3A_286 = arith.constant 32 : i32
        %scan3A_287 = arith.addi %scan3A_285, %scan3A_286 : i32
        %scan3A_288 = arith.constant 1 : i32
        scf.for %scan3A_290 = %scan3A_285 to %scan3A_287 step %scan3A_288  : i32 {
          %mul3A_291 = arith.constant 16 : i32
          %mul3A_292 = arith.muli %scan3A_290, %mul3A_291 : i32
          %add3A_293 = vector.broadcast %mul3A_292 : i32 to vector<16xi32>
          %add3A_294 = arith.addi %add3A_293, %iota3A : vector<16xi32>
          %gather3A = tpu.vector_load_idx %arg9[%add3A_294, %broadcast_in_dim3A_11] : memref<512x8xf32, #tpu.memory_space<vmem>>[vector<16xi32>, vector<16xi32>], vector<16xf32>,
          %gather3A_295 = tpu.vector_load_idx %arg9[%add3A_294, %broadcast_in_dim3A_13] : memref<512x8xf32, #tpu.memory_space<vmem>>[vector<16xi32>, vector<16xi32>], vector<16xf32>,
          %gather3A_296 = tpu.vector_load_idx %arg9[%add3A_294, %broadcast_in_dim3A_15] : memref<512x8xf32, #tpu.memory_space<vmem>>[vector<16xi32>, vector<16xi32>], vector<16xf32>,
          %gather3A_297 = tpu.vector_load_idx %arg10[%add3A_294, %broadcast_in_dim3A_11] : memref<512x8xf32, #tpu.memory_space<vmem>>[vector<16xi32>, vector<16xi32>], vector<16xf32>,
          %gather3A_298 = tpu.vector_load_idx %arg10[%add3A_294, %broadcast_in_dim3A_13] : memref<512x8xf32, #tpu.memory_space<vmem>>[vector<16xi32>, vector<16xi32>], vector<16xf32>,
          %gather3A_299 = tpu.vector_load_idx %arg10[%add3A_294, %broadcast_in_dim3A_15] : memref<512x8xf32, #tpu.memory_space<vmem>>[vector<16xi32>, vector<16xi32>], vector<16xf32>,
          %sub3A = arith.subf %gather3A_297, %gather3A : vector<16xf32>
          %sub3A_300 = arith.subf %gather3A_298, %gather3A_295 : vector<16xf32>
          %sub3A_301 = arith.subf %gather3A_299, %gather3A_296 : vector<16xf32>
          %mul3A_302 = arith.mulf %sub3A, %sub3A : vector<16xf32>
          %mul3A_303 = arith.mulf %sub3A_300, %sub3A_300 : vector<16xf32>
          %add3A_304 = arith.addf %mul3A_302, %mul3A_303 : vector<16xf32>
          %mul3A_305 = arith.mulf %sub3A_301, %sub3A_301 : vector<16xf32>
          %add3A_306 = arith.addf %add3A_304, %mul3A_305 : vector<16xf32>
          %div3A = arith.divf %get3A_1, %add3A_306 : vector<16xf32>
          %mul3A_307 = arith.mulf %div3A, %div3A : vector<16xf32>
          %mul3A_308 = arith.mulf %mul3A_307, %div3A : vector<16xf32>
          %mul3A_309 = arith.mulf %mul3A_308, %mul3A_308 : vector<16xf32>
          %sub3A_310 = arith.subf %mul3A_309, %mul3A_308 : vector<16xf32>
          %mul3A_311 = arith.mulf %get3A_3, %sub3A_310 : vector<16xf32>
          %mul3A_312 = arith.constant 16 : i32
          %mul3A_313 = arith.muli %scan3A_290, %mul3A_312 : i32
          %get3A_314 = arith.index_cast %mul3A_313 : i32 to index
          %get3A_315 = tpu.vector_load %arg7[%get3A_314] {strides = array<i32>} : memref<512xi32, #tpu.memory_space<vmem>>, vector<16xi32>,
          tpu.vector_store_idx %arg12[%get3A_315], %mul3A_311 {add = true} : memref<100000xf32, #tpu.memory_space<vmem>>[vector<16xi32>], vector<16xf32>,
        }
        %scan3A_289 = arith.constant 32 : i32
      } else {
      }
    }
    %scan3A_21 = arith.constant 391 : i32
    "tpu.region"() ({
      %run_scoped3A = tpu.sem_alloc : memref<!tpu.dma_semaphore, #tpu.memory_space<semaphore_mem>>
      %dma_start3A = arith.constant 0 : i32
      %dma_start3A_22 = tpu.memref_slice %arg6[%add3A, %dma_start3A] : memref<32x100000xf32, #tpu.memory_space<hbm>> -> memref<1x100000xf32, #tpu.memory_space<hbm>>
      %dma_start3A_23 = tpu.memref_squeeze %dma_start3A_22 : memref<1x100000xf32, #tpu.memory_space<hbm>> -> memref<100000xf32, #tpu.memory_space<hbm>>
      %dma_start3A_24 = arith.constant 0 : i32
      %dma_start3A_25 = tpu.memref_slice %arg6[%add3A, %dma_start3A_24] : memref<32x100000xf32, #tpu.memory_space<hbm>> -> memref<1x100000xf32, #tpu.memory_space<hbm>>
      %dma_start3A_26 = tpu.memref_squeeze %dma_start3A_25 : memref<1x100000xf32, #tpu.memory_space<hbm>> -> memref<100000xf32, #tpu.memory_space<hbm>>
      tpu.enqueue_dma source(%arg12 : memref<100000xf32, #tpu.memory_space<vmem>>) target(%dma_start3A_26 : memref<100000xf32, #tpu.memory_space<hbm>>) target_semaphore(%run_scoped3A : memref<!tpu.dma_semaphore, #tpu.memory_space<semaphore_mem>>)
      %dma_wait3A = arith.constant 0 : i32
      %dma_wait3A_27 = tpu.memref_slice %arg6[%add3A, %dma_wait3A] : memref<32x100000xf32, #tpu.memory_space<hbm>> -> memref<1x100000xf32, #tpu.memory_space<hbm>>
      %dma_wait3A_28 = tpu.memref_squeeze %dma_wait3A_27 : memref<1x100000xf32, #tpu.memory_space<hbm>> -> memref<100000xf32, #tpu.memory_space<hbm>>
      %dma_wait3A_29 = arith.constant 0 : i32
      %dma_wait3A_30 = tpu.memref_slice %arg6[%add3A, %dma_wait3A_29] : memref<32x100000xf32, #tpu.memory_space<hbm>> -> memref<1x100000xf32, #tpu.memory_space<hbm>>
      %dma_wait3A_31 = tpu.memref_squeeze %dma_wait3A_30 : memref<1x100000xf32, #tpu.memory_space<hbm>> -> memref<100000xf32, #tpu.memory_space<hbm>>
      tpu.wait_dma2 semaphore(%run_scoped3A : memref<!tpu.dma_semaphore, #tpu.memory_space<semaphore_mem>>) src(%arg12 : memref<100000xf32, #tpu.memory_space<vmem>>) dst(%dma_wait3A_31 : memref<100000xf32, #tpu.memory_space<hbm>>)
      tpu.yield
    }) : () -> ()
    return
  }
}

module attributes {stable_mosaic.version = 14 : i64} {
  func.func @_tc_reduce_body(%arg0: i32, %arg1: memref<32x12288xf32, #tpu.memory_space<vmem>>, %arg2: memref<12288xf32, #tpu.memory_space<vmem>>) attributes {dimension_semantics = [#tpu.dimension_semantics<arbitrary>], iteration_bounds = array<i64: 9>, scalar_prefetch = 0 : i64, scratch_operands = 0 : i64, tpu.core_type = #tpu.core_type<tc>, window_params = [{transform_indices = @transform_0, window_bounds = array<i64: 32, 12288>}, {transform_indices = @transform_1, window_bounds = array<i64: 12288>}]} {
    %get3A = arith.constant 0 : index
    %get3A_0 = arith.constant 0 : index
    %get3A_1 = vector.load %arg1[%get3A, %get3A_0] : memref<32x12288xf32, #tpu.memory_space<vmem>>, vector<32x12288xf32>
    %reduce_sum3A = arith.constant dense<0.000000e+00> : vector<12288xf32>
    %reduce_sum3A_2 = vector.multi_reduction <add>, %get3A_1, %reduce_sum3A [0] : vector<32x12288xf32> to vector<12288xf32>
    %swap3A = arith.constant 0 : index
    %swap3A_3 = vector.load %arg2[%swap3A] : memref<12288xf32, #tpu.memory_space<vmem>>, vector<12288xf32>
    tpu.vector_store %arg2[%swap3A], %reduce_sum3A_2 {strides = array<i32>} : memref<12288xf32, #tpu.memory_space<vmem>>, vector<12288xf32>,
    return
  }
  func.func @transform_0(%arg0: i32) -> (i32, i32) {
    %c0_i32 = arith.constant 0 : i32
    %c0_i32_0 = arith.constant 0 : i32
    return %c0_i32, %arg0 : i32, i32
  }
  func.func @transform_1(%arg0: i32) -> i32 {
    %c0_i32 = arith.constant 0 : i32
    return %arg0 : i32
  }
}

</mosaic_0001>

<sc_bundles>
// kernel: kernel.4.cloned.1.call-start
scs
__scs_entry_jumppad:
0x0: {  	(pc) =	sbr.rel $0x88, $3  }
0x1: {  	(tag) =	ssettag $0x0;
	lr =	simm.s32 $0x1  }
0x2: {  	[smem:$0x3F9D] =	sst lr;
	_ =	strace $0xD0000000  }
0x3: {  	_ = 	snop  }
0x4: {  	_ = 	snop  }
0x5: {  	_ = 	snop  }
0x6: {  	_ = 	snop  }
0x7: {  	_ = 	snop  }
__scs_overlays_trampoline_lowered:
0x8: {  	[smem:$0x3FAC] =	sst s0  }
0x9: {  	[smem:$0x3FAD] =	sst s1  }
0xa: {  	[smem:$0x3FAE] =	sst s2  }
0xb: {  	[smem:$0x3FAF] =	sst s3  }
0xc: {  	[smem:$0x3FB0] =	sst s4  }
0xd: {  	[smem:$0x3FB1] =	sst s5  }
0xe: {  	[smem:$0x3FB2] =	sst s6  }
0xf: {  	[smem:$0x3FB3] =	sst s7  }
0x10: {  	[smem:$0x3FB4] =	sst s8  }
0x11: {  	[smem:$0x3FB5] =	sst s9;
	s0 =	simm.s32 @!p0 $0x0  }
0x12: {  	s1 =	sld [smem:$0x3F9B];
	s0 =	simm.s32 @p0 $0x1  }
0x13: {  	[smem:$0x3FB6] =	sst s0;
	s0 =	simm.s32 @!p1 $0x0  }
0x14: {  	s2 =	sld [smem:$0x3F9A];
	s0 =	simm.s32 @p1 $0x1  }
0x15: {  	[smem:$0x3FB7] =	sst s0;
	s0 =	simm.s32 @!p2 $0x0  }
0x16: {  	s3 =	sld [smem:$0x3FDB];
	s0 =	simm.s32 @p2 $0x1  }
0x17: {  	s4 =	simm.s32 $0x1BF5;
	[smem:$0x3FB9] =	sst s0  }
0x18: {  	s0 =	sld [smem:$0x3F9C];
	_ =	swait.ge [sflag:s4], $0x0  }
0x19: {  	s7 =	sld [smem:$0x3F9D]  }
0x1a: {  	s8 =	sadd.s32 $0xFFFFE003, lr  }
0x1b: {  	s9 =	sadd.s32 $0xFFFFFEF7, lr;
	s5 =	simm.s32 $0xFFFFFFFF;
	p2 =	slt.u32 s8, $0xFFFFF086  }
0x1c: {  	p1 =	slt.u32 s9, $0xF7A;
	s5 =	simm.s32 @!p2 $0x0  }
0x1d: {  	s5 =	simm.s32 @p1 $0x1;
	p0 =	seq.s32 s7, s2  }
0x1e: {  	s7 =	smul.u32 @!p0 $0xF7A, s2;
	p2 =	seq.s32 @!p0 s5, $0x0  }
0x1f: {  	s9 =	smul.u32 $0xF7A, s1;
	s8 =	simm.s32 @!p0 $0x1BF5;
	p2 =	por !p2, p0  }
0x20: {  	[sflag:s8] =	ssyncset.s32 @!p0 $0xFFFFF086;
	s6 =	sadd.s32 @!p0 s3, s7;
	s7 =	simm.s32 @!p0 $0x108  }
0x21: {  	s3 =	sadd.s32 s3, s9;
	s6 =	sadd.s32 @!p0 $0x88, s6;
	s7 =	simm.s32 @p2 $0x1082  }
0x22: {  	[simem:s7], [sflag:s8] =	dma.local @!p0 [hbm:s6], $0xF7A  }
0x23: {  	s9 =	sor.u32 $0xD0000000, s2;
	s6 =	simm.s32 $0x108;
	_ =	swait.ge @!p0 [sflag:s8], $0x0  }
0x24: {  	s3 =	sadd.s32 $0x88, s3;
	s6 =	simm.s32 @!p1 $0x1082;
	[sflag:s4] =	ssyncset.s32 $0xFFFFF086  }
0x25: {  	[simem:s6], [sflag:s4] =	dma.local [hbm:s3], $0xF7A  }
0x26: {  	[smem:$0x3F9D] =	sst s1;
	(tag) =	ssettag s2;
	_ =	strace s9  }
0x27: {  	s1 =	sld [smem:$0x3FAD]  }
0x28: {  	s2 =	sld [smem:$0x3FAE]  }
0x29: {  	s4 =	sld [smem:$0x3FB0]  }
0x2a: {  	p0 =	seq.s32 s5, $0x0;
	s5 =	sld [smem:$0x3FB1]  }
0x2b: {  	s6 =	sld [smem:$0x3FB2]  }
0x2c: {  	s7 =	sld [smem:$0x3FB3]  }
0x2d: {  	s3 =	simm.s32 $0x108;
	s8 =	sld [smem:$0x3FB4]  }
0x2e: {  	s3 =	simm.s32 @!p0 $0x1082;
	s9 =	sld [smem:$0x3FB5]  }
0x2f: {  	lr =	sadd.s32 s0, s3;
	s0 =	sld [smem:$0x3FAC]  }
0x30: {  	s3 =	sld [smem:$0x3FAF]  }
0x31: {  	[smem:$0x3FB8] =	sst s10  }
0x32: {  	s10 =	sld [smem:$0x3FB6];
	_ =	sdelay $0x3  }
0x33: {  	p0 =	seq.s32 s10, $0x1;
	s10 =	sld [smem:$0x3FB8];
	_ =	sdelay $0x3  }
0x34: {  	[smem:$0x3FB8] =	sst s10  }
0x35: {  	s10 =	sld [smem:$0x3FB7];
	_ =	sdelay $0x3  }
0x36: {  	p1 =	seq.s32 s10, $0x1;
	s10 =	sld [smem:$0x3FB8];
	_ =	sdelay $0x3  }
0x37: {  	[smem:$0x3FB8] =	sst s10  }
0x38: {  	s10 =	sld [smem:$0x3FB9]  }
0x39: {  	_ = 	snop;
	(pc) =	sbr.ind lr, $3  }
0x3a: {  	_ = 	snop  }
0x3b: {  	_ = 	snop  }
0x3c: {  	p2 =	seq.s32 s10, $0x1;
	s10 =	sld [smem:$0x3FB8]  }
0x3d: {  	_ =	shalt  }
0x3e: {  	_ =	shalt  }
0x3f: {  	_ =	shalt  }
0x40: {  	_ =	shalt  }
0x41: {  	_ =	shalt  }
0x42: {  	_ =	shalt  }
0x43: {  	_ =	shalt  }
0x44: {  	_ =	shalt  }
0x45: {  	_ =	shalt  }
0x46: {  	_ =	shalt  }
0x47: {  	_ =	shalt  }
0x48: {  	_ =	shalt  }
0x49: {  	_ =	shalt  }
0x4a: {  	_ =	shalt  }
0x4b: {  	_ =	shalt  }
0x4c: {  	_ =	shalt  }
0x4d: {  	_ =	shalt  }
0x4e: {  	_ =	shalt  }
0x4f: {  	_ =	shalt  }
0x50: {  	_ =	shalt  }
0x51: {  	_ =	shalt  }
0x52: {  	_ =	shalt  }
0x53: {  	_ =	shalt  }
0x54: {  	_ =	shalt  }
0x55: {  	_ =	shalt  }
0x56: {  	_ =	shalt  }
0x57: {  	_ =	shalt  }
0x58: {  	_ =	shalt  }
0x59: {  	_ =	shalt  }
0x5a: {  	_ =	shalt  }
0x5b: {  	_ =	shalt  }
0x5c: {  	_ =	shalt  }
0x5d: {  	_ =	shalt  }
0x5e: {  	_ =	shalt  }
0x5f: {  	_ =	shalt  }
0x60: {  	_ =	shalt  }
0x61: {  	_ =	shalt  }
0x62: {  	_ =	shalt  }
0x63: {  	_ =	shalt  }
0x64: {  	_ =	shalt  }
0x65: {  	_ =	shalt  }
0x66: {  	_ =	shalt  }
0x67: {  	_ =	shalt  }
0x68: {  	_ =	shalt  }
0x69: {  	_ =	shalt  }
0x6a: {  	_ =	shalt  }
0x6b: {  	_ =	shalt  }
0x6c: {  	_ =	shalt  }
0x6d: {  	_ =	shalt  }
0x6e: {  	_ =	shalt  }
0x6f: {  	_ =	shalt  }
0x70: {  	_ =	shalt  }
0x71: {  	_ =	shalt  }
0x72: {  	_ =	shalt  }
0x73: {  	_ =	shalt  }
0x74: {  	_ =	shalt  }
0x75: {  	_ =	shalt  }
0x76: {  	_ =	shalt  }
0x77: {  	_ =	shalt  }
0x78: {  	_ =	shalt  }
0x79: {  	_ =	shalt  }
0x7a: {  	_ =	shalt  }
0x7b: {  	_ =	shalt  }
0x7c: {  	_ =	shalt  }
0x7d: {  	_ =	shalt  }
0x7e: {  	_ =	shalt  }
0x7f: {  	_ =	shalt  }
0x80: {  	_ =	shalt  }
0x81: {  	_ =	shalt  }
0x82: {  	_ =	shalt  }
0x83: {  	_ =	shalt  }
0x84: {  	_ =	shalt  }
0x85: {  	_ =	shalt  }
0x86: {  	_ =	shalt  }
0x87: {  	_ =	shalt  }
.Lfunc_end0:
.L_simem_size_0:
called_computation_lowered:
.L_overlay_start_0:
0x88: {  	s2 =	sld [smem:$0x3FD9]  }
0x89: {  	s3 =	sld [smem:$0x3FFE];
	_ =	sdelay $0x1  }
0x8a: {  	s1 =	srdreg.scid  }
0x8b: {  	s0 =	sand.u32 $0x1, s1  }
0x8c: {  	s17 =	sshll.u32 s0, $0xA;
	s2 =	sadd.s32 s3, s2  }
0x8d: {  	s2 =	sadd.s32 s2, s17  }
0x8e: {  	[smem:$0x3FC4] =	sst s2  }
0x8f: {  	_ = 	snop  }
0x90: {  	s2 =	sld [smem:$0x3FD0];
	(tm) =	ssettm $0x1  }
0x91: {  	s18 =	sld [smem:$0x3FFB];
	_ =	sdelay $0x3  }
0x92: {  	_ =	strace s18  }
0x93: {  	s3 =	sld [smem:$0x3FFC];
	_ =	sdelay $0x3  }
0x94: {  	_ =	strace s3  }
0x95: {  	s3 =	sld [smem:$0x3FFD];
	_ =	sdelay $0x3  }
0x96: {  	_ =	strace s3  }
0x97: {  	_ =	strace $0x8FFFFFFF  }
0x98: {  	s19 =	sld [smem:$0x3FDB];
	_ =	sdelay $0x1  }
0x99: {  	s4 =	simm.s32 $_scs_section_size  }
0x9a: {  	s5 =	simm.s32 $_size__tile_overlayer_lowered;
	s6 =	simm.s32 $_tile_overlayer_lowered  }
0x9b: {  	s22 =	simm.s32 $0x1BFF;
	s21 =	sshll.u32 s6, $0x1;
	s3 =	sadd.s32 s4, s19  }
0x9c: {  	s7 =	simm.s32 $0x0;
	s20 =	sshll.u32 s5, $0x1;
	s5 =	sadd.s32 s21, s3  }
0x9d: {  	[timem:s7], [sflag:s22] =	dma.local [hbm:s5], s20  }
0x9e: {  	_ =	swait.ge [sflag:s22], s20  }
0x9f: {  	s4 =	ssub.s32 $0x0, s20;
	[sflag:s22] =	ssyncset.done $0x0  }
0xa0: {  	[sflag:s22] =	ssyncadd.s32 s4;
	_ =	sdelay $0x1  }
0xa1: {  	s23 =	simm.s32 $0x1B8B  }
0xa2: {  	_ =	swait.ge [sflag:s23], $0x1  }
0xa3: {  	[sflag:s23] =	ssyncset.done $0x0  }
0xa4: {  	s25 =	simm.s32 $0x1B8E;
	s24 =	sld [smem:$0x3FFE];
	[sflag:s23] =	ssyncadd.s32 $0xFFFFFFFF  }
0xa5: {  	s26 =	simm.s32 $execute0_lowered;
	[smem:$0x3FD2] =	sst s25  }
0xa6: {  	s5 =	sshll.u32 s26, $0x1;
	_ =	strace $0x80000046;
	[dreg:$0x1] =	wrdreg $0xFFFFFFFF  }
0xa7: {  	s28 =	simm.s32 $_size_execute0_lowered;
	s3 =	sadd.s32 s3, s5;
	[dreg:$0x0] =	wrdreg $0x0  }
0xa8: {  	s5 =	sshll.u32 s28, $0x1;
	[dreg:$0x2] =	wrdreg s3  }
0xa9: {  	[dreg:$0x3] =	wrdreg s5  }
0xaa: {  	[dreg:$0x4] =	wrdreg $0xC0  }
0xab: {  	_ =	task [dreg:s7], $0x5FFFF  }
0xac: {  	[dreg:$0x1] =	wrdreg $0xFFFFFFFF  }
0xad: {  	[dreg:$0x0] =	wrdreg $0x60  }
0xae: {  	[dreg:$0x2] =	wrdreg s24  }
0xaf: {  	[dreg:$0x3] =	wrdreg s2  }
0xb0: {  	[dreg:$0x4] =	wrdreg $0x9  }
0xb1: {  	_ =	task.clear_ibuf [dreg:s7], $0x5FFFF;
	_ =	strace $0x90000046  }
0xb2: {  	s29 =	simm.s32 $0x9;
	_ =	strace $0x80000048  }
0xb3: {  	_ =	swait.ge [sflag:s29], $0x1  }
0xb4: {  	[sflag:s29] =	ssyncadd.s32 $0xFFFFFFFF  }
0xb5: {  	_ =	strace $0x90000048  }
0xb6: {  	_ =	sfence  }
0xb7: {  	s30 =	sld [smem:$0x0];
	_ =	sdelay $0x2  }
0xb8: {  	s31 =	sshll.u32 s1, $0xD;
	s1 =	sshrl.u32 s1, $0x2  }
0xb9: {  	s3 =	sand.u32 $0x4000, s31;
	s1 =	sadd.s32 s1, s30  }
0xba: {  	s0 =	sor.u32 s3, s0;
	s1 =	sshll.u32 s1, $0x11  }
0xbb: {  	s0 =	sor.u32 s1, s0  }
0xbc: {  	s0 =	sadd.s32 $0x8F2B, s0  }
0xbd: {  	[sflag:s0] =	ssyncadd.remote.s32 $0x1  }
0xbe: {  	_ =	sfence.sel $0xFFFF  }
0xbf: {  	[dreg:$0x0] =	wrdreg $0xFFFFFFFF;
	(pc) =	sbr.abs _section_cstart, $3  }
0xc0: {  	[dreg:$0x1] =	wrdreg $0xFFFFFFFF  }
0xc1: {  	_ =	task.clear_ibuf [dreg:s7], $0x2FFFF;
	_ =	strace $0x9FFFFFFF  }
0xc2: {  	(tm) =	ssettm $0x7FFFFFFF  }
0xc3: {  	_ =	shalt  }
tec
execute0_lowered:
.L_overlay_start_1:
0x0: {  	(tag) =	ssettag $0x1  }
0x1: {  	s0 =	rddreg [dreg:$0x0];
	s1 =	srdreg.scid  }
0x2: {  	s2 =	stileid.u32;
	s24 =	simm.s32 $0x0;
	s11 =	simm.s32 $0x2  }
0x3: {  	s12 =	simm.s32 $0x200;
	s13 =	simm.s32 $0x40;
	s14 =	simm.s32 $0x400  }
0x4: {  	s15 =	simm.s32 $0x1400;
	s28 =	simm.s32 $0x100;
	s29 =	simm.s32 $0xC00  }
0x5: {  	s30 =	simm.s32 $0x300;
	s31 =	simm.s32 $0x1C00;
	s10 =	simm.s32 $0x1E00  }
0x6: {  	s8 =	simm.s32 $0x1000;
	s9 =	simm.s32 $0x380;
	s16 =	simm.s32 $0x2000  }
0x7: {  	s17 =	simm.s32 $0x1C0;
	s18 =	simm.s32 $0x1200;
	s19 =	simm.s32 $0x3C0  }
0x8: {  	s20 =	simm.s32 $0x2200;
	s21 =	simm.s32 $0x1;
	s22 =	simm.s32 $0x2420  }
0x9: {  	s23 =	simm.s32 $0x0;
	s1 =	sand.u32 $0x1, s1;
	s2 =	sshll.u32 s2, $0x1  }
0xa: {  	[smem:$0x7FF] =	sst s24;
	s5 =	sadd.s32 $0x600, s0;
	s4 =	sor.u32 s1, s2  }
0xb: {  	s6 =	sadd.s32 $0xDC400, s0;
	s1 =	ssub.s32 $0x2, s1;
	s2 =	smul.u32 $0x30D4, s4  }
.Ltmp0:
0xc: {  	s7 =	sadd.s32 $0x18E00, s0;
	s3 =	sshrl.u32 s1, $0x1;
	(pc) =	sbr.rel .LBB2_1-.Ltmp0, $4  }
0xd: {  	_ =	strace $0x80000047;
	[dreg:$0x5] =	wrdreg s23;
	s1 =	ssub.s32 s1, s3  }
0xe: {  	s3 =	simm.s32 $0x180;
	s2 =	sadd.s32 s2, s0;
	s26 =	smax.u32 s1, $0x1  }
0xf: {  	v1 =	vlaneseq.u32;
	s1 =	simm.s32 $0x140;
	s25 =	sadd.s32 $0x19FA00, s2;
	[dreg:$0x4] =	wrdreg s26  }
0x10: {  	v0 =	vimm.f32 $0.0e+00;
	v1 =	vmul.u32 $0x8, v1;
	s0 =	simm.s32 $0xE00;
	s2 =	simm.s32 $0x340;
	[dreg:$0x3] =	wrdreg s25  }
.LBB2_9:
0x11: {  	s24 =	simm.s32 $0x0;
	s23 =	rddreg [dreg:$0x3]  }
0x12: {  	[hbm4b:s23+s24] =	stream.linear.scatter [tilespmem:s22], [sflag:$0x2], $0x186A0, $0x38;
	[tilespmem:$0x1AAC0] =	vst v63  }
0x13: {  	_ =	swait.ge [sflag:s11], $0x186A0  }
0x14: {  	s25 =	rddreg [dreg:$0x5]  }
0x15: {  	s26 =	rddreg [dreg:$0x4];
	s25 =	sadd.s32 $0x1, s25  }
0x16: {  	p0 =	sne.s32 s25, s26  }
.Ltmp1:
0x17: {  	_ = 	snop;
	(pc) =	sbr.rel @!p0 .LBB2_10-.Ltmp1, $3  }
0x18: {  	_ =	sdelay $0x1  }
0x19: {  	[sflag:s11] =	ssyncset.done $0x0  }
0x1a: {  	[sflag:s11] =	ssyncadd.s32 $0xFFFE7960;
	[dreg:$0x5] =	wrdreg s25  }
.LBB2_1:
0x1b: {  	s23 =	rddreg [dreg:$0x1];
	s25 =	simm.s32 $0x2400  }
0x1c: {  	[tilespmem:s25], [sflag:$0x2] =	stream.linear.gather [hbm4b:s23+s24], $0x20, $0x38;
	[tilespmem:$0x1AAC0] =	vst v63  }
0x1d: {  	_ =	swait.ge [sflag:s11], $0x20  }
0x1e: {  	[sflag:s11] =	ssyncset.done $0x0  }
0x1f: {  	[sflag:s11] =	ssyncadd.s32 $0xFFFFFFE0  }
0x20: {  	v3 =	vld [tilespmem:$0x2410];
	_ =	sdelay $0x2  }
0x21: {  	s23 =	simm.s32 $0x0;
	v2 =	vld [tilespmem:$0x2400]  }
.LBB2_2:
0x22: {  	p0 =	sne.s32 s23, $0x61A40  }
.Ltmp2:
0x23: {  	_ = 	snop;
	(pc) =	sbr.rel @p0 .LBB2_2-.Ltmp2, $3  }
0x24: {  	_ =	sdelay $0x1  }
0x25: {  	s24 =	sshra.s32 s23, $0x2  }
0x26: {  	s23 =	sadd.s32 $0x40, s23;
	[tilespmem:s24+$0x2420] =	vst v0  }
.Ltmp3:
0x27: {  	(pc) =	sbr.rel .LBB2_4-.Ltmp3, $2  }
0x28: {  	_ =	sdelay $0x2  }
0x29: {  	s23 =	simm.s32 $0x0  }
.LBB2_8:
0x2a: {  	s23 =	sadd.s32 $0x1, s23  }
0x2b: {  	p0 =	sne.s32 s23, $0x187  }
.Ltmp4:
0x2c: {  	_ = 	snop;
	(pc) =	sbr.rel @!p0 .LBB2_9-.Ltmp4, $1  }
0x2d: {  	_ =	sdelay $0x3  }
.LBB2_4:
0x2e: {  	s24 =	sshll.u32 s23, $0x5  }
0x2f: {  	s24 =	sor.u32 s4, s24  }
0x30: {  	p0 =	sgt.u32 s24, $0x30D3  }
.Ltmp5:
0x31: {  	_ = 	snop;
	(pc) =	sbr.rel @p0 .LBB2_8-.Ltmp5, $1  }
0x32: {  	_ =	sdelay $0x3  }
0x33: {  	s25 =	sshll.u32 s24, $0x6  }
0x34: {  	s24 =	simm.s32 $0x0;
	s26 =	sadd.s32 s6, s25  }
0x35: {  	[tilespmem:s24], [sflag:$0x2] =	stream.linear.gather [hbm4b:s26+s24], $0x200, $0x38;
	[tilespmem:$0x1AAC0] =	vst v63  }
0x36: {  	_ =	swait.ge [sflag:s11], $0x200  }
0x37: {  	[sflag:s11] =	ssyncset.done $0x0  }
0x38: {  	s25 =	sadd.s32 s7, s25;
	[sflag:s11] =	ssyncadd.s32 $0xFFFFFE00  }
0x39: {  	[tilespmem:s12], [sflag:$0x2] =	stream.linear.gather [hbm4b:s25+s24], $0x200, $0x38;
	[tilespmem:$0x1AAC0] =	vst v63  }
0x3a: {  	_ =	swait.ge [sflag:s11], $0x200  }
0x3b: {  	[sflag:s11] =	ssyncset.done $0x0  }
0x3c: {  	[sflag:s11] =	ssyncadd.s32 $0xFFFFFE00  }
0x3d: {  	[tilespmem:s14], [sflag:$0x1] =	stream.indirect.gather [hbm4b:s5+s13], $0x8, s24, s13, $0xb8;
	[tilespmem:$0x1AAC0] =	vst v63  }
0x3e: {  	_ = 	snop  }
0x3f: {  	[tilespmem:s15], [sflag:$0x1] =	stream.indirect.gather [hbm4b:s5+s13], $0x8, s12, s13, $0xb8;
	[tilespmem:$0x1AAC0] =	vst v63  }
0x40: {  	s26 =	simm.s32 $0x600  }
0x41: {  	[tilespmem:s26], [sflag:$0x1] =	stream.indirect.gather [hbm4b:s5+s13], $0x8, s13, s13, $0xb8;
	[tilespmem:$0x1AAC0] =	vst v63  }
0x42: {  	s25 =	simm.s32 $0x240;
	s26 =	simm.s32 $0x1600  }
0x43: {  	[tilespmem:s26], [sflag:$0x1] =	stream.indirect.gather [hbm4b:s5+s13], $0x8, s25, s13, $0xb8;
	[tilespmem:$0x1AAC0] =	vst v63  }
0x44: {  	s25 =	simm.s32 $0x80;
	s26 =	simm.s32 $0x800  }
0x45: {  	[tilespmem:s26], [sflag:$0x1] =	stream.indirect.gather [hbm4b:s5+s13], $0x8, s25, s13, $0xb8;
	[tilespmem:$0x1AAC0] =	vst v63  }
0x46: {  	s25 =	simm.s32 $0x280;
	s26 =	simm.s32 $0x1800  }
0x47: {  	[tilespmem:s26], [sflag:$0x1] =	stream.indirect.gather [hbm4b:s5+s13], $0x8, s25, s13, $0xb8;
	[tilespmem:$0x1AAC0] =	vst v63  }
0x48: {  	s25 =	simm.s32 $0xC0;
	s26 =	simm.s32 $0xA00  }
0x49: {  	[tilespmem:s26], [sflag:$0x1] =	stream.indirect.gather [hbm4b:s5+s13], $0x8, s25, s13, $0xb8;
	[tilespmem:$0x1AAC0] =	vst v63  }
0x4a: {  	s25 =	simm.s32 $0x2C0;
	s26 =	simm.s32 $0x1A00  }
0x4b: {  	[tilespmem:s26], [sflag:$0x1] =	stream.indirect.gather [hbm4b:s5+s13], $0x8, s25, s13, $0xb8;
	[tilespmem:$0x1AAC0] =	vst v63  }
0x4c: {  	_ = 	snop  }
0x4d: {  	[tilespmem:s29], [sflag:$0x1] =	stream.indirect.gather [hbm4b:s5+s13], $0x8, s28, s13, $0xb8;
	[tilespmem:$0x1AAC0] =	vst v63  }
0x4e: {  	_ = 	snop  }
0x4f: {  	[tilespmem:s31], [sflag:$0x1] =	stream.indirect.gather [hbm4b:s5+s13], $0x8, s30, s13, $0xb8;
	[tilespmem:$0x1AAC0] =	vst v63  }
0x50: {  	_ = 	snop  }
0x51: {  	[tilespmem:s0], [sflag:$0x1] =	stream.indirect.gather [hbm4b:s5+s13], $0x8, s1, s13, $0xb8;
	[tilespmem:$0x1AAC0] =	vst v63  }
0x52: {  	_ = 	snop  }
0x53: {  	[tilespmem:s10], [sflag:$0x1] =	stream.indirect.gather [hbm4b:s5+s13], $0x8, s2, s13, $0xb8;
	[tilespmem:$0x1AAC0] =	vst v63  }
0x54: {  	_ = 	snop  }
0x55: {  	[tilespmem:s8], [sflag:$0x1] =	stream.indirect.gather [hbm4b:s5+s13], $0x8, s3, s13, $0xb8;
	[tilespmem:$0x1AAC0] =	vst v63  }
0x56: {  	_ = 	snop  }
0x57: {  	[tilespmem:s16], [sflag:$0x1] =	stream.indirect.gather [hbm4b:s5+s13], $0x8, s9, s13, $0xb8;
	[tilespmem:$0x1AAC0] =	vst v63  }
0x58: {  	_ = 	snop  }
0x59: {  	[tilespmem:s18], [sflag:$0x1] =	stream.indirect.gather [hbm4b:s5+s13], $0x8, s17, s13, $0xb8;
	[tilespmem:$0x1AAC0] =	vst v63  }
0x5a: {  	_ = 	snop  }
0x5b: {  	[tilespmem:s20], [sflag:$0x1] =	stream.indirect.gather [hbm4b:s5+s13], $0x8, s19, s13, $0xb8;
	[tilespmem:$0x1AAC0] =	vst v63  }
0x5c: {  	_ =	swait.ge [sflag:s21], $0x200  }
0x5d: {  	[sflag:s21] =	ssyncset.done $0x0  }
0x5e: {  	[sflag:s21] =	ssyncadd.s32 $0xFFFFFE00  }
0x5f: {  	_ =	swait.ge [sflag:s21], $0x200  }
0x60: {  	[sflag:s21] =	ssyncset.done $0x0  }
0x61: {  	[sflag:s21] =	ssyncadd.s32 $0xFFFFFE00  }
0x62: {  	_ =	swait.ge [sflag:s21], $0x200  }
0x63: {  	[sflag:s21] =	ssyncset.done $0x0  }
0x64: {  	[sflag:s21] =	ssyncadd.s32 $0xFFFFFE00  }
0x65: {  	_ =	swait.ge [sflag:s21], $0x200  }
0x66: {  	[sflag:s21] =	ssyncset.done $0x0  }
0x67: {  	[sflag:s21] =	ssyncadd.s32 $0xFFFFFE00  }
0x68: {  	_ =	swait.ge [sflag:s21], $0x200  }
0x69: {  	[sflag:s21] =	ssyncset.done $0x0  }
0x6a: {  	[sflag:s21] =	ssyncadd.s32 $0xFFFFFE00  }
0x6b: {  	_ =	swait.ge [sflag:s21], $0x200  }
0x6c: {  	[sflag:s21] =	ssyncset.done $0x0  }
0x6d: {  	[sflag:s21] =	ssyncadd.s32 $0xFFFFFE00  }
0x6e: {  	_ =	swait.ge [sflag:s21], $0x200  }
0x6f: {  	[sflag:s21] =	ssyncset.done $0x0  }
0x70: {  	[sflag:s21] =	ssyncadd.s32 $0xFFFFFE00  }
0x71: {  	_ =	swait.ge [sflag:s21], $0x200  }
0x72: {  	[sflag:s21] =	ssyncset.done $0x0  }
0x73: {  	[sflag:s21] =	ssyncadd.s32 $0xFFFFFE00  }
0x74: {  	_ =	swait.ge [sflag:s21], $0x200  }
0x75: {  	[sflag:s21] =	ssyncset.done $0x0  }
0x76: {  	[sflag:s21] =	ssyncadd.s32 $0xFFFFFE00  }
0x77: {  	_ =	swait.ge [sflag:s21], $0x200  }
0x78: {  	[sflag:s21] =	ssyncset.done $0x0  }
0x79: {  	[sflag:s21] =	ssyncadd.s32 $0xFFFFFE00  }
0x7a: {  	_ =	swait.ge [sflag:s21], $0x200  }
0x7b: {  	[sflag:s21] =	ssyncset.done $0x0  }
0x7c: {  	[sflag:s21] =	ssyncadd.s32 $0xFFFFFE00  }
0x7d: {  	_ =	swait.ge [sflag:s21], $0x200  }
0x7e: {  	[sflag:s21] =	ssyncset.done $0x0  }
0x7f: {  	[sflag:s21] =	ssyncadd.s32 $0xFFFFFE00  }
0x80: {  	_ =	swait.ge [sflag:s21], $0x200  }
0x81: {  	[sflag:s21] =	ssyncset.done $0x0  }
0x82: {  	[sflag:s21] =	ssyncadd.s32 $0xFFFFFE00  }
0x83: {  	_ =	swait.ge [sflag:s21], $0x200  }
0x84: {  	[sflag:s21] =	ssyncset.done $0x0  }
0x85: {  	v4 =	vmov s24;
	[sflag:s21] =	ssyncadd.s32 $0xFFFFFE00  }
0x86: {  	v4 =	vshll.u32 v4, $0x3;
	_ =	swait.ge [sflag:s21], $0x200  }
0x87: {  	v4 =	vor.u32 v1, v4;
	[sflag:s21] =	ssyncset.done $0x0  }
0x88: {  	[sflag:s21] =	ssyncadd.s32 $0xFFFFFE00  }
0x89: {  	v5 =	vor.u32 $0x1, v4;
	_ =	swait.ge [sflag:s21], $0x200  }
0x8a: {  	[sflag:s21] =	ssyncset.done $0x0  }
0x8b: {  	v6 =	vor.u32 $0x2, v4;
	[sflag:s21] =	ssyncadd.s32 $0xFFFFFE00  }
0x8c: {  	v7 =	vld.idx.msk [tilespmem:v4+s15+$0x0], $0xffff  }
0x8d: {  	v4 =	vld.idx.msk [tilespmem:v4+s14+$0x0], $0xffff  }
0x8e: {  	v8 =	vld.idx.msk [tilespmem:v5+s14+$0x0], $0xffff  }
0x8f: {  	v5 =	vld.idx.msk [tilespmem:v5+s15+$0x0], $0xffff  }
0x90: {  	v9 =	vld.idx.msk [tilespmem:v6+s14+$0x0], $0xffff  }
0x91: {  	v6 =	vld.idx.msk [tilespmem:v6+s15+$0x0], $0xffff;
	_ =	sdelay $0x2  }
0x92: {  	v4 =	vsub.f32 v7, v4;
	v5 =	vsub.f32 v5, v8;
	_ =	sdelay $0x1  }
0x93: {  	v6 =	vsub.f32 v6, v9;
	v4 =	vmul.f32 v4, v4;
	v5 =	vmul.f32 v5, v5;
	_ =	sdelay $0x1  }
0x94: {  	v4 =	vadd.f32 v5, v4;
	v5 =	vmul.f32 v6, v6;
	_ =	sdelay $0x1  }
0x95: {  	v4 =	vadd.f32 v5, v4;
	_ =	sdelay $0x1  }
0x96: {  	(erf) = vrcp.f32 v4;
	_ =	sdelay $0x8  }
0x97: {  	v4 =	vpop (erf)  }
0x98: {  	v4 =	vmul.f32 v4, v2;
	_ =	sdelay $0x1  }
0x99: {  	v5 =	vmul.f32 v4, v4  }
0x9a: {  	s26 =	simm.s32 $0x10  }
0x9b: {  	v6 =	vmul.f32 v5, v4;
	v4 =	vmov s26  }
0x9c: {  	v5 =	vshll.u32 v4, $0x3;
	v4 =	vld [tilespmem:s24+$0x0];
	_ =	sdelay $0x1  }
0x9d: {  	v7 =	vmul.f32 v6, v6;
	_ =	sdelay $0x1  }
0x9e: {  	s25 =	simm.s32 $0x20;
	v5 =	vor.u32 v1, v5;
	v6 =	vsub.f32 v7, v6  }
.LBB2_6:
0x9f: {  	p0 =	sne.s32 s25, $0x1F0  }
0xa0: {  	v7 =	vor.u32 $0x1, v5;
	v6 =	vmul.f32 v6, v3;
	_ =	sdelay $0x1  }
0xa1: {  	v8 =	vor.u32 $0x2, v5;
	[tilespmem:v4+s22+$0x0] =	vst.idx.add.f32.msk $0xffff, v6  }
0xa2: {  	v4 =	vld.idx.msk [tilespmem:v5+s15+$0x0], $0xffff  }
0xa3: {  	v5 =	vld.idx.msk [tilespmem:v5+s14+$0x0], $0xffff  }
0xa4: {  	v6 =	vld.idx.msk [tilespmem:v7+s14+$0x0], $0xffff  }
0xa5: {  	v7 =	vld.idx.msk [tilespmem:v7+s15+$0x0], $0xffff  }
0xa6: {  	v9 =	vld.idx.msk [tilespmem:v8+s14+$0x0], $0xffff  }
0xa7: {  	v8 =	vld.idx.msk [tilespmem:v8+s15+$0x0], $0xffff;
	_ =	sdelay $0x3  }
0xa8: {  	v4 =	vsub.f32 v4, v5;
	v5 =	vsub.f32 v7, v6;
	_ =	sdelay $0x1  }
0xa9: {  	v4 =	vmul.f32 v4, v4;
	v6 =	vsub.f32 v8, v9;
	v5 =	vmul.f32 v5, v5;
	_ =	sdelay $0x1  }
0xaa: {  	v4 =	vadd.f32 v5, v4;
	v5 =	vmul.f32 v6, v6;
	_ =	sdelay $0x1  }
0xab: {  	v4 =	vadd.f32 v5, v4;
	_ =	sdelay $0x1  }
0xac: {  	(erf) = vrcp.f32 v4;
	_ =	sdelay $0x8  }
0xad: {  	v4 =	vpop (erf)  }
0xae: {  	v4 =	vmul.f32 v4, v2;
	_ =	sdelay $0x1  }
0xaf: {  	v5 =	vmul.f32 v4, v4  }
0xb0: {  	s24 =	sadd.s32 $0x10, s24  }
.Ltmp6:
0xb1: {  	v6 =	vmul.f32 v5, v4;
	v4 =	vld [tilespmem:s24+$0x0];
	(pc) =	sbr.rel @p0 .LBB2_6-.Ltmp6, $4  }
0xb2: {  	_ = 	snop  }
0xb3: {  	v5 =	vmov s25;
	v7 =	vmul.f32 v6, v6  }
0xb4: {  	v5 =	vshll.u32 v5, $0x3  }
0xb5: {  	s25 =	sadd.s32 $0x10, s25;
	v5 =	vor.u32 v1, v5;
	v6 =	vsub.f32 v7, v6  }
0xb6: {  	_ =	sdelay $0x1  }
0xb7: {  	v7 =	vor.u32 $0x1, v5;
	v6 =	vmul.f32 v6, v3;
	_ =	sdelay $0x1  }
0xb8: {  	v8 =	vor.u32 $0x2, v5;
	[tilespmem:v4+s22+$0x0] =	vst.idx.add.f32.msk $0xffff, v6  }
0xb9: {  	v4 =	vld.idx.msk [tilespmem:v5+s15+$0x0], $0xffff  }
0xba: {  	v5 =	vld.idx.msk [tilespmem:v5+s14+$0x0], $0xffff  }
0xbb: {  	v6 =	vld.idx.msk [tilespmem:v7+s14+$0x0], $0xffff  }
0xbc: {  	v7 =	vld.idx.msk [tilespmem:v7+s15+$0x0], $0xffff  }
0xbd: {  	v9 =	vld.idx.msk [tilespmem:v8+s14+$0x0], $0xffff  }
0xbe: {  	v8 =	vld.idx.msk [tilespmem:v8+s15+$0x0], $0xffff;
	_ =	sdelay $0x2  }
0xbf: {  	v4 =	vsub.f32 v4, v5;
	v5 =	vsub.f32 v7, v6;
	_ =	sdelay $0x1  }
0xc0: {  	v62 =	vsub.f32 v8, v9;
	v4 =	vmul.f32 v4, v4;
	v5 =	vmul.f32 v5, v5;
	_ =	sdelay $0x1  }
0xc1: {  	v4 =	vadd.f32 v5, v4;
	v5 =	vmul.f32 v62, v62;
	_ =	sdelay $0x1  }
0xc2: {  	v4 =	vadd.f32 v5, v4;
	_ =	sdelay $0x1  }
0xc3: {  	(erf) = vrcp.f32 v4;
	_ =	sdelay $0x8  }
0xc4: {  	v4 =	vpop (erf)  }
0xc5: {  	v4 =	vmul.f32 v4, v2;
	_ =	sdelay $0x1  }
0xc6: {  	v5 =	vmul.f32 v4, v4  }
0xc7: {  	s24 =	sadd.s32 $0x10, s24  }
0xc8: {  	v4 =	vmul.f32 v5, v4;
	v5 =	vld [tilespmem:s24+$0x0];
	_ =	sdelay $0x1  }
0xc9: {  	v63 =	vmul.f32 v4, v4;
	_ =	sdelay $0x1  }
.Ltmp7:
0xca: {  	v4 =	vsub.f32 v63, v4;
	(pc) =	sbr.rel .LBB2_8-.Ltmp7, $3  }
0xcb: {  	_ = 	snop  }
0xcc: {  	v4 =	vmul.f32 v4, v3;
	_ =	sdelay $0x1  }
0xcd: {  	[tilespmem:v5+s22+$0x0] =	vst.idx.add.f32.msk $0xffff, v4  }
.LBB2_10:
0xce: {  	_ =	sfence.sel $0x180000  }
0xcf: {  	[bflag:$0x0] =	sbarrier.arrive $0xFFFF  }
0xd0: {  	_ =	strace $0x90000047  }
0xd1: {  	s0 =	stileid.u32;
	[bflag:$0x2] =	sbarrier.arrive $0xFFFF  }
0xd2: {  	p0 =	sne.s32 s0, $0x0;
	s0 =	rddreg [dreg:$0x2]  }
0xd3: {  	s0 =	sadd.s32 @!p0 $0x100000, s0  }
0xd4: {  	[sflag:s0] =	ssyncadd.tile.s32 @!p0 $0x1;
	_ =	shalt  }
.Lfunc_end2:
_tile_overlayer_lowered:
.L_overlay_start_2:
0xd5: {  	(tag) =	ssettag $0x2  }
0xd6: {  	s0 =	rddreg [dreg:$0x0];
	s2 =	stileid.u32  }
0xd7: {  	s1 =	rddreg [dreg:$0x1];
	p0 =	sne.s32 s2, $0x0  }
0xd8: {  	s3 =	rddreg [dreg:$0x2];
	[bflag:$0x3] =	sbarrier.arrive $0xFFFF;
	s2 =	simm.s32 @!p0 $0x1C02  }
0xd9: {  	[timem:s3], [sflag:s2] =	dma.local @!p0 [hbm:s0], s1  }
0xda: {  	s0 =	simm.s32 @!p0 $0x2  }
0xdb: {  	_ =	swait.ge @!p0 [sflag:s0], s1  }
0xdc: {  	s1 =	ssub.s32 @!p0 $0x0, s1;
	[sflag:s0] =	ssyncset.done @!p0 $0x0  }
0xdd: {  	[sflag:s0] =	ssyncadd.s32 @!p0 s1  }
0xde: {  	[bflag:$0x3] =	sbarrier.arrive $0xFFFF  }
0xdf: {  	_ =	shalt  }

</sc_bundles>
